<compile_context>
chip_gen: v7x
topology: tpu7x:2x2x1
jax: 0.10.2.dev20260603
libtpu: 0.0.44.dev20260713+nightly
codegen_flags: <defaults>
</compile_context>

<pallas_src>
import functools

import jax
import jax.numpy as jnp
from jax import lax
from jax.experimental import pallas as pl
from jax.experimental.pallas import tpu as pltpu
from jax.experimental.pallas import tpu_sc as plsc

N_NODES = 10000
N_EDGES = 320000
D_FEAT = 128

NT, L = 16, 16
NPAD = 10240
EPT = N_EDGES // NT
NSL = NPAD // NT

_mesh = plsc.VectorSubcoreMesh(
    core_axis_name="c", subcore_axis_name="s", num_cores=1, num_subcores=NT
)
_sc_params = pltpu.CompilerParams(needs_layout_passes=False)


def _rsqrt16(d):
    i = lax.bitcast_convert_type(d, jnp.int32)
    y = lax.bitcast_convert_type(jnp.int32(0x5F3759DF) - (i >> 1), jnp.float32)
    for _ in range(3):
        y = y * (1.5 - 0.5 * d * y * y)
    return y


def _mish16(z):
    t = 1.0 + jnp.exp(z)
    tt = t * t
    return jnp.where(z > 15.0, z, z * (tt - 1.0) / (tt + 1.0))


def _sum16_2d(tmp2d, sl):
    acc = tmp2d[0, sl]
    for q in range(1, NT):
        acc = acc + tmp2d[q, sl]
    return acc


NTAIL = N_NODES - (NT - 1) * NSL


@functools.partial(
    pl.kernel,
    out_type=jax.ShapeDtypeStruct((1, N_NODES), jnp.float32),
    mesh=_mesh,
    scratch_types=[
        pltpu.VMEM((EPT,), jnp.int32),
        pltpu.VMEM((EPT,), jnp.int32),
        pltpu.VMEM((EPT,), jnp.float32),
        pltpu.VMEM((NPAD,), jnp.float32),
        pltpu.VMEM((NPAD,), jnp.float32),
        pltpu.VMEM((NPAD,), jnp.float32),
        pltpu.VMEM((NT, NSL), jnp.float32),
        pltpu.VMEM((NSL,), jnp.float32),
        pltpu.VMEM((NSL,), jnp.float32),
        pltpu.VMEM((NSL,), jnp.float32),
        pltpu.VMEM((NSL,), jnp.float32),
        pltpu.VMEM((1, L), jnp.float32),
        pltpu.VMEM_SHARED((NT, NPAD), jnp.float32),
        pltpu.VMEM_SHARED((NPAD,), jnp.float32),
        pltpu.SemaphoreType.DMA,
    ],
    compiler_params=_sc_params,
)
def _sc_gcn(ei_hbm, attr_hbm, h_hbm, b_hbm, out_hbm,
            colv, rowv, attrv, accv, acc2, gv, tmp2d, hv, dv, gsl, sv, bv,
            part_sh, g_sh, sem):
    sid = lax.axis_index("s")
    nbase = sid * NSL

    EH = EPT // 2
    c1a = pltpu.async_copy(ei_hbm.at[pl.ds(N_EDGES + sid * EPT, EH)], colv.at[pl.ds(0, EH)], sem)
    c2a = pltpu.async_copy(attr_hbm.at[pl.ds(sid * EPT, EH)], attrv.at[pl.ds(0, EH)], sem)
    c1b = pltpu.async_copy(ei_hbm.at[pl.ds(N_EDGES + sid * EPT + EH, EH)], colv.at[pl.ds(EH, EH)], sem)
    c2b = pltpu.async_copy(attr_hbm.at[pl.ds(sid * EPT + EH, EH)], attrv.at[pl.ds(EH, EH)], sem)
    c3 = pltpu.async_copy(ei_hbm.at[pl.ds(sid * EPT, EPT)], rowv, sem)
    c5 = pltpu.async_copy(b_hbm, bv, sem)

    @plsc.parallel_loop(0, NPAD, step=L, unroll=8)
    def _(i):
        accv[pl.ds(i, L)] = jnp.zeros((L,), jnp.float32)
        acc2[pl.ds(i, L)] = jnp.zeros((L,), jnp.float32)

    c1a.wait()
    c2a.wait()

    @plsc.parallel_loop(0, EPT // 2, step=L, unroll=8)
    def _(i):
        sl = pl.ds(i, L)
        plsc.addupdate_scatter(accv, [colv[sl]], attrv[sl])

    c1b.wait()
    c2b.wait()

    @plsc.parallel_loop(EPT // 2, EPT, step=L, unroll=8)
    def _(i):
        sl = pl.ds(i, L)
        plsc.addupdate_scatter(accv, [colv[sl]], attrv[sl])

    pltpu.sync_copy(accv, part_sh.at[sid])

    @pl.when(sid < NT - 1)
    def _():
        pltpu.sync_copy(h_hbm.at[0, pl.ds(nbase, NSL)], hv)

    @pl.when(sid == NT - 1)
    def _():
        pltpu.sync_copy(h_hbm.at[0, pl.ds((NT - 1) * NSL, NTAIL)], hv.at[pl.ds(0, NTAIL)])

        @pl.loop(0, (NSL - NTAIL) // L)
        def _(i):
            hv[pl.ds(NTAIL + i * L, L)] = jnp.zeros((L,), jnp.float32)

    plsc.subcore_barrier()

    pltpu.sync_copy(part_sh.at[:, pl.ds(nbase, NSL)], tmp2d)

    @plsc.parallel_loop(0, NSL, step=L, unroll=4)
    def _(i):
        sl = pl.ds(i, L)
        y = _rsqrt16(_sum16_2d(tmp2d, sl) + 1.0)
        dv[sl] = y
        gsl[sl] = hv[sl] * y

    pltpu.sync_copy(gsl, g_sh.at[pl.ds(nbase, NSL)])
    c3.wait()
    plsc.subcore_barrier()
    pltpu.sync_copy(g_sh, gv)

    @plsc.parallel_loop(0, EPT, step=L, unroll=8)
    def _(i):
        sl = pl.ds(i, L)
        vals = plsc.load_gather(gv, [rowv[sl]]) * attrv[sl]
        plsc.addupdate_scatter(acc2, [colv[sl]], vals)

    pltpu.sync_copy(acc2, part_sh.at[sid])
    plsc.subcore_barrier()

    pltpu.sync_copy(part_sh.at[:, pl.ds(nbase, NSL)], tmp2d)
    c5.wait()

    @plsc.parallel_loop(0, NSL, step=L, unroll=4)
    def _(i):
        sl = pl.ds(i, L)
        z = bv[0, :] + dv[sl] * (_sum16_2d(tmp2d, sl) + gsl[sl])
        sv[sl] = _mish16(z)

    @pl.when(sid < NT - 1)
    def _():
        pltpu.sync_copy(sv, out_hbm.at[0, pl.ds(nbase, NSL)])

    @pl.when(sid == NT - 1)
    def _():
        pltpu.sync_copy(sv.at[pl.ds(0, NTAIL)], out_hbm.at[0, pl.ds((NT - 1) * NSL, NTAIL)])


def _mv_body(w_ref, x_ref, b_ref, o_ref, b16_ref):
    o_ref[...] = lax.dot_general(
        w_ref[...], x_ref[...], (((1,), (1,)), ((), ())),
        preferred_element_type=jnp.float32,
    )
    b16_ref[...] = jnp.broadcast_to(b_ref[0, 0], (1, L))


def kernel(x, edge_index, attrs, W, b):
    ei = edge_index.astype(jnp.int32).reshape(2 * N_EDGES)

    h, b16 = pl.pallas_call(
        _mv_body,
        out_shape=(
            jax.ShapeDtypeStruct((1, N_NODES), jnp.float32),
            jax.ShapeDtypeStruct((1, L), jnp.float32),
        ),
    )(W, x, b.reshape(1, 1))

    return _sc_gcn(ei, attrs, h, b16)

# --- scband reference (transcript-rebuilt; emitter-appended) ---
"""Pipeline reference for scband-graph-net-22686017257664 (READ-ONLY COPY).

The authoritative reference and input builder live on the scoring server;
editing this copy changes nothing except your own understanding.
"""

import jax, jax.numpy as jnp
import numpy as np

N_NODES = 10000
N_EDGES = 320000
D_FEAT = 128

def mish(x):
    return x * jnp.tanh(jax.nn.softplus(x))

def setup_inputs(seed: int = 0) -> dict:
    key = jax.random.key(seed)
    k1, k2, k3, k4, k5 = jax.random.split(key, 5)
    x = jax.random.normal(k1, (N_NODES, D_FEAT), dtype=jnp.float32)
    edge_index = jax.random.randint(k2, (2, N_EDGES), 0, N_NODES, dtype=jnp.int64)
    attrs = jax.random.uniform(k3, (N_EDGES,), dtype=jnp.float32)
    # GCNConv(num_features=128, out_channels=1): weight [1, 128], bias [1]
    W = jax.random.normal(k4, (1, D_FEAT), dtype=jnp.float32) * (1.0 / np.sqrt(D_FEAT))
    b = jnp.zeros((1,), dtype=jnp.float32)
    return {"x": x, "edge_index": edge_index, "attrs": attrs, "W": W, "b": b}

def reference(x, edge_index, attrs, W, b):
    N = x.shape[0]
    row = edge_index[0]
    col = edge_index[1]
    # add self-loops (PyG GCNConv default add_self_loops=True, fill_value=1.0)
    loop = jnp.arange(N, dtype=edge_index.dtype)
    row_f = jnp.concatenate([row, loop])
    col_f = jnp.concatenate([col, loop])
    ew = jnp.concatenate([attrs, jnp.ones((N,), dtype=attrs.dtype)])
    # symmetric gcn normalization: deg computed at target (col)
    deg = jax.ops.segment_sum(ew, col_f, num_segments=N)
    deg_inv_sqrt = jnp.where(deg > 0, 1.0 / jnp.sqrt(deg), 0.0)
    norm = deg_inv_sqrt[row_f] * ew * deg_inv_sqrt[col_f]
    # linear transform first (out_channels=1)
    h = x @ W.T  # [N, 1]
    # message = norm * x_j (gather from source row), aggregate sum at col
    msg = h[row_f] * norm[:, None]
    out = jax.ops.segment_sum(msg, col_f, num_segments=N)
    out = out + b
    out = mish(out)
    return out.reshape(1, -1)

if __name__ == "__main__":
    import jax
    _d = setup_inputs()
    print(jax.jit(kernel)(*tuple(_d.values())))

</pallas_src>

<mosaic_0001>
#map = affine_map<(d0, d1) -> (0)>
#map1 = affine_map<(d0, d1) -> (0, 0)>
module attributes {stable_mosaic.version = 14 : i64} {
  func.func @_sc_gcn(%arg0: i32, %arg1: i32, %arg2: memref<640000xi32, #tpu.memory_space<hbm>>, %arg3: memref<320000xf32, #tpu.memory_space<hbm>>, %arg4: memref<1x10000xf32, #tpu.memory_space<hbm>>, %arg5: memref<1x16xf32, #tpu.memory_space<hbm>>, %arg6: memref<1x10000xf32, #tpu.memory_space<hbm>>, %arg7: memref<20000xi32, #tpu.memory_space<vmem>>, %arg8: memref<20000xi32, #tpu.memory_space<vmem>>, %arg9: memref<20000xf32, #tpu.memory_space<vmem>>, %arg10: memref<10240xf32, #tpu.memory_space<vmem>>, %arg11: memref<10240xf32, #tpu.memory_space<vmem>>, %arg12: memref<10240xf32, #tpu.memory_space<vmem>>, %arg13: memref<16x640xf32, #tpu.memory_space<vmem>>, %arg14: memref<640xf32, #tpu.memory_space<vmem>>, %arg15: memref<640xf32, #tpu.memory_space<vmem>>, %arg16: memref<640xf32, #tpu.memory_space<vmem>>, %arg17: memref<640xf32, #tpu.memory_space<vmem>>, %arg18: memref<1x16xf32, #tpu.memory_space<vmem>>, %arg19: memref<16x10240xf32, #tpu.memory_space<vmem_shared>>, %arg20: memref<10240xf32, #tpu.memory_space<vmem_shared>>, %arg21: memref<!tpu.dma_semaphore, #tpu.memory_space<semaphore_mem>>) attributes {dimension_semantics = [#tpu.dimension_semantics<core_parallel>, #tpu.dimension_semantics<subcore_parallel>], iteration_bounds = array<i64: 1, 16>, scalar_prefetch = 0 : i64, scratch_operands = 15 : i64, tpu.core_type = #tpu.core_type<sc_vector_subcore>, window_params = [{transform_indices = #map}, {transform_indices = #map}, {transform_indices = #map1}, {transform_indices = #map1}, {transform_indices = #map1}]} {
    %mul3A = arith.constant 640 : i32
    %mul3A_0 = arith.muli %arg1, %mul3A : i32
    %mul3A_1 = arith.constant 20000 : i32
    %mul3A_2 = arith.muli %arg1, %mul3A_1 : i32
    %add3A = arith.constant 320000 : i32
    %add3A_3 = arith.addi %add3A, %mul3A_2 : i32
    %dma_start3A = arith.constant 0 : i32
    %dma_start3A_4 = tpu.memref_slice %arg7[%dma_start3A] : memref<20000xi32, #tpu.memory_space<vmem>> -> memref<10000xi32, #tpu.memory_space<vmem>>
    %dma_start3A_5 = tpu.memref_slice %arg2[%add3A_3] : memref<640000xi32, #tpu.memory_space<hbm>> -> memref<10000xi32, #tpu.memory_space<hbm>>
    %dma_start3A_6 = arith.constant 0 : i32
    %dma_start3A_7 = tpu.memref_slice %arg7[%dma_start3A_6] : memref<20000xi32, #tpu.memory_space<vmem>> -> memref<10000xi32, #tpu.memory_space<vmem>>
    %dma_start3A_8 = tpu.memref_slice %arg2[%add3A_3] : memref<640000xi32, #tpu.memory_space<hbm>> -> memref<10000xi32, #tpu.memory_space<hbm>>
    tpu.enqueue_dma source(%dma_start3A_8 : memref<10000xi32, #tpu.memory_space<hbm>>) target(%dma_start3A_7 : memref<10000xi32, #tpu.memory_space<vmem>>) target_semaphore(%arg21 : memref<!tpu.dma_semaphore, #tpu.memory_space<semaphore_mem>>)
    %mul3A_9 = arith.constant 20000 : i32
    %mul3A_10 = arith.muli %arg1, %mul3A_9 : i32
    %dma_start3A_11 = arith.constant 0 : i32
    %dma_start3A_12 = tpu.memref_slice %arg9[%dma_start3A_11] : memref<20000xf32, #tpu.memory_space<vmem>> -> memref<10000xf32, #tpu.memory_space<vmem>>
    %dma_start3A_13 = tpu.memref_slice %arg3[%mul3A_10] : memref<320000xf32, #tpu.memory_space<hbm>> -> memref<10000xf32, #tpu.memory_space<hbm>>
    %dma_start3A_14 = arith.constant 0 : i32
    %dma_start3A_15 = tpu.memref_slice %arg9[%dma_start3A_14] : memref<20000xf32, #tpu.memory_space<vmem>> -> memref<10000xf32, #tpu.memory_space<vmem>>
    %dma_start3A_16 = tpu.memref_slice %arg3[%mul3A_10] : memref<320000xf32, #tpu.memory_space<hbm>> -> memref<10000xf32, #tpu.memory_space<hbm>>
    tpu.enqueue_dma source(%dma_start3A_16 : memref<10000xf32, #tpu.memory_space<hbm>>) target(%dma_start3A_15 : memref<10000xf32, #tpu.memory_space<vmem>>) target_semaphore(%arg21 : memref<!tpu.dma_semaphore, #tpu.memory_space<semaphore_mem>>)
    %mul3A_17 = arith.constant 20000 : i32
    %mul3A_18 = arith.muli %arg1, %mul3A_17 : i32
    %add3A_19 = arith.constant 320000 : i32
    %add3A_20 = arith.addi %add3A_19, %mul3A_18 : i32
    %add3A_21 = arith.constant 10000 : i32
    %add3A_22 = arith.addi %add3A_20, %add3A_21 : i32
    %dma_start3A_23 = arith.constant 10000 : i32
    %dma_start3A_24 = tpu.memref_slice %arg7[%dma_start3A_23] : memref<20000xi32, #tpu.memory_space<vmem>> -> memref<10000xi32, #tpu.memory_space<vmem>>
    %dma_start3A_25 = tpu.memref_slice %arg2[%add3A_22] : memref<640000xi32, #tpu.memory_space<hbm>> -> memref<10000xi32, #tpu.memory_space<hbm>>
    %dma_start3A_26 = arith.constant 10000 : i32
    %dma_start3A_27 = tpu.memref_slice %arg7[%dma_start3A_26] : memref<20000xi32, #tpu.memory_space<vmem>> -> memref<10000xi32, #tpu.memory_space<vmem>>
    %dma_start3A_28 = tpu.memref_slice %arg2[%add3A_22] : memref<640000xi32, #tpu.memory_space<hbm>> -> memref<10000xi32, #tpu.memory_space<hbm>>
    tpu.enqueue_dma source(%dma_start3A_28 : memref<10000xi32, #tpu.memory_space<hbm>>) target(%dma_start3A_27 : memref<10000xi32, #tpu.memory_space<vmem>>) target_semaphore(%arg21 : memref<!tpu.dma_semaphore, #tpu.memory_space<semaphore_mem>>)
    %mul3A_29 = arith.constant 20000 : i32
    %mul3A_30 = arith.muli %arg1, %mul3A_29 : i32
    %add3A_31 = arith.constant 10000 : i32
    %add3A_32 = arith.addi %mul3A_30, %add3A_31 : i32
    %dma_start3A_33 = arith.constant 10000 : i32
    %dma_start3A_34 = tpu.memref_slice %arg9[%dma_start3A_33] : memref<20000xf32, #tpu.memory_space<vmem>> -> memref<10000xf32, #tpu.memory_space<vmem>>
    %dma_start3A_35 = tpu.memref_slice %arg3[%add3A_32] : memref<320000xf32, #tpu.memory_space<hbm>> -> memref<10000xf32, #tpu.memory_space<hbm>>
    %dma_start3A_36 = arith.constant 10000 : i32
    %dma_start3A_37 = tpu.memref_slice %arg9[%dma_start3A_36] : memref<20000xf32, #tpu.memory_space<vmem>> -> memref<10000xf32, #tpu.memory_space<vmem>>
    %dma_start3A_38 = tpu.memref_slice %arg3[%add3A_32] : memref<320000xf32, #tpu.memory_space<hbm>> -> memref<10000xf32, #tpu.memory_space<hbm>>
    tpu.enqueue_dma source(%dma_start3A_38 : memref<10000xf32, #tpu.memory_space<hbm>>) target(%dma_start3A_37 : memref<10000xf32, #tpu.memory_space<vmem>>) target_semaphore(%arg21 : memref<!tpu.dma_semaphore, #tpu.memory_space<semaphore_mem>>)
    %mul3A_39 = arith.constant 20000 : i32
    %mul3A_40 = arith.muli %arg1, %mul3A_39 : i32
    %dma_start3A_41 = tpu.memref_slice %arg2[%mul3A_40] : memref<640000xi32, #tpu.memory_space<hbm>> -> memref<20000xi32, #tpu.memory_space<hbm>>
    %dma_start3A_42 = tpu.memref_slice %arg2[%mul3A_40] : memref<640000xi32, #tpu.memory_space<hbm>> -> memref<20000xi32, #tpu.memory_space<hbm>>
    tpu.enqueue_dma source(%dma_start3A_42 : memref<20000xi32, #tpu.memory_space<hbm>>) target(%arg8 : memref<20000xi32, #tpu.memory_space<vmem>>) target_semaphore(%arg21 : memref<!tpu.dma_semaphore, #tpu.memory_space<semaphore_mem>>)
    tpu.enqueue_dma source(%arg5 : memref<1x16xf32, #tpu.memory_space<hbm>>) target(%arg18 : memref<1x16xf32, #tpu.memory_space<vmem>>) target_semaphore(%arg21 : memref<!tpu.dma_semaphore, #tpu.memory_space<semaphore_mem>>)
    %parallel_loop3A = arith.constant 0 : i32
    %parallel_loop3A_43 = arith.constant 10240 : i32
    %parallel_loop3A_44 = arith.constant 16 : i32
    scf.for %parallel_loop3A_103 = %parallel_loop3A to %parallel_loop3A_43 step %parallel_loop3A_44  : i32 {
      %parallel_loop3A_104 = arith.constant 0.000000e+00 : f32
      %parallel_loop3A_105 = vector.broadcast %parallel_loop3A_104 : f32 to vector<16xf32>
      %parallel_loop3A_106 = arith.index_cast %parallel_loop3A_103 : i32 to index
      %parallel_loop3A_107 = tpu.vector_load %arg10[%parallel_loop3A_106] {strides = array<i32>} : memref<10240xf32, #tpu.memory_space<vmem>>, vector<16xf32>,
      tpu.vector_store %arg10[%parallel_loop3A_106], %parallel_loop3A_105 {strides = array<i32>} : memref<10240xf32, #tpu.memory_space<vmem>>, vector<16xf32>,
      %parallel_loop3A_108 = arith.constant 0.000000e+00 : f32
      %parallel_loop3A_109 = vector.broadcast %parallel_loop3A_108 : f32 to vector<16xf32>
      %parallel_loop3A_110 = arith.index_cast %parallel_loop3A_103 : i32 to index
      %parallel_loop3A_111 = tpu.vector_load %arg11[%parallel_loop3A_110] {strides = array<i32>} : memref<10240xf32, #tpu.memory_space<vmem>>, vector<16xf32>,
      tpu.vector_store %arg11[%parallel_loop3A_110], %parallel_loop3A_109 {strides = array<i32>} : memref<10240xf32, #tpu.memory_space<vmem>>, vector<16xf32>,
    } {sc.loop_unroll_factor = 8 : i64, sc.parallel_access}
    %dma_wait3A = arith.constant 0 : i32
    %dma_wait3A_45 = tpu.memref_slice %arg7[%dma_wait3A] : memref<20000xi32, #tpu.memory_space<vmem>> -> memref<10000xi32, #tpu.memory_space<vmem>>
    %dma_wait3A_46 = tpu.memref_slice %arg2[%add3A_3] : memref<640000xi32, #tpu.memory_space<hbm>> -> memref<10000xi32, #tpu.memory_space<hbm>>
    %dma_wait3A_47 = arith.constant 0 : i32
    %dma_wait3A_48 = tpu.memref_slice %arg7[%dma_wait3A_47] : memref<20000xi32, #tpu.memory_space<vmem>> -> memref<10000xi32, #tpu.memory_space<vmem>>
    %dma_wait3A_49 = tpu.memref_slice %arg2[%add3A_3] : memref<640000xi32, #tpu.memory_space<hbm>> -> memref<10000xi32, #tpu.memory_space<hbm>>
    tpu.wait_dma2 semaphore(%arg21 : memref<!tpu.dma_semaphore, #tpu.memory_space<semaphore_mem>>) src(%dma_wait3A_49 : memref<10000xi32, #tpu.memory_space<hbm>>) dst(%dma_wait3A_48 : memref<10000xi32, #tpu.memory_space<vmem>>)
    %dma_wait3A_50 = arith.constant 0 : i32
    %dma_wait3A_51 = tpu.memref_slice %arg9[%dma_wait3A_50] : memref<20000xf32, #tpu.memory_space<vmem>> -> memref<10000xf32, #tpu.memory_space<vmem>>
    %dma_wait3A_52 = tpu.memref_slice %arg3[%mul3A_10] : memref<320000xf32, #tpu.memory_space<hbm>> -> memref<10000xf32, #tpu.memory_space<hbm>>
    %dma_wait3A_53 = arith.constant 0 : i32
    %dma_wait3A_54 = tpu.memref_slice %arg9[%dma_wait3A_53] : memref<20000xf32, #tpu.memory_space<vmem>> -> memref<10000xf32, #tpu.memory_space<vmem>>
    %dma_wait3A_55 = tpu.memref_slice %arg3[%mul3A_10] : memref<320000xf32, #tpu.memory_space<hbm>> -> memref<10000xf32, #tpu.memory_space<hbm>>
    tpu.wait_dma2 semaphore(%arg21 : memref<!tpu.dma_semaphore, #tpu.memory_space<semaphore_mem>>) src(%dma_wait3A_55 : memref<10000xf32, #tpu.memory_space<hbm>>) dst(%dma_wait3A_54 : memref<10000xf32, #tpu.memory_space<vmem>>)
    %parallel_loop3A_56 = arith.constant 0 : i32
    %parallel_loop3A_57 = arith.constant 10000 : i32
    %parallel_loop3A_58 = arith.constant 16 : i32
    scf.for %parallel_loop3A_103 = %parallel_loop3A_56 to %parallel_loop3A_57 step %parallel_loop3A_58  : i32 {
      %parallel_loop3A_104 = arith.index_cast %parallel_loop3A_103 : i32 to index
      %parallel_loop3A_105 = tpu.vector_load %arg7[%parallel_loop3A_104] {strides = array<i32>} : memref<20000xi32, #tpu.memory_space<vmem>>, vector<16xi32>,
      %parallel_loop3A_106 = arith.index_cast %parallel_loop3A_103 : i32 to index
      %parallel_loop3A_107 = tpu.vector_load %arg9[%parallel_loop3A_106] {strides = array<i32>} : memref<20000xf32, #tpu.memory_space<vmem>>, vector<16xf32>,
      tpu.vector_store_idx %arg10[%parallel_loop3A_105], %parallel_loop3A_107 {add = true} : memref<10240xf32, #tpu.memory_space<vmem>>[vector<16xi32>], vector<16xf32>,
    } {sc.loop_unroll_factor = 8 : i64, sc.parallel_access}
    %dma_wait3A_59 = arith.constant 10000 : i32
    %dma_wait3A_60 = tpu.memref_slice %arg7[%dma_wait3A_59] : memref<20000xi32, #tpu.memory_space<vmem>> -> memref<10000xi32, #tpu.memory_space<vmem>>
    %dma_wait3A_61 = tpu.memref_slice %arg2[%add3A_22] : memref<640000xi32, #tpu.memory_space<hbm>> -> memref<10000xi32, #tpu.memory_space<hbm>>
    %dma_wait3A_62 = arith.constant 10000 : i32
    %dma_wait3A_63 = tpu.memref_slice %arg7[%dma_wait3A_62] : memref<20000xi32, #tpu.memory_space<vmem>> -> memref<10000xi32, #tpu.memory_space<vmem>>
    %dma_wait3A_64 = tpu.memref_slice %arg2[%add3A_22] : memref<640000xi32, #tpu.memory_space<hbm>> -> memref<10000xi32, #tpu.memory_space<hbm>>
    tpu.wait_dma2 semaphore(%arg21 : memref<!tpu.dma_semaphore, #tpu.memory_space<semaphore_mem>>) src(%dma_wait3A_64 : memref<10000xi32, #tpu.memory_space<hbm>>) dst(%dma_wait3A_63 : memref<10000xi32, #tpu.memory_space<vmem>>)
    %dma_wait3A_65 = arith.constant 10000 : i32
    %dma_wait3A_66 = tpu.memref_slice %arg9[%dma_wait3A_65] : memref<20000xf32, #tpu.memory_space<vmem>> -> memref<10000xf32, #tpu.memory_space<vmem>>
    %dma_wait3A_67 = tpu.memref_slice %arg3[%add3A_32] : memref<320000xf32, #tpu.memory_space<hbm>> -> memref<10000xf32, #tpu.memory_space<hbm>>
    %dma_wait3A_68 = arith.constant 10000 : i32
    %dma_wait3A_69 = tpu.memref_slice %arg9[%dma_wait3A_68] : memref<20000xf32, #tpu.memory_space<vmem>> -> memref<10000xf32, #tpu.memory_space<vmem>>
    %dma_wait3A_70 = tpu.memref_slice %arg3[%add3A_32] : memref<320000xf32, #tpu.memory_space<hbm>> -> memref<10000xf32, #tpu.memory_space<hbm>>
    tpu.wait_dma2 semaphore(%arg21 : memref<!tpu.dma_semaphore, #tpu.memory_space<semaphore_mem>>) src(%dma_wait3A_70 : memref<10000xf32, #tpu.memory_space<hbm>>) dst(%dma_wait3A_69 : memref<10000xf32, #tpu.memory_space<vmem>>)
    %parallel_loop3A_71 = arith.constant 10000 : i32
    %parallel_loop3A_72 = arith.constant 20000 : i32
    %parallel_loop3A_73 = arith.constant 16 : i32
    scf.for %parallel_loop3A_103 = %parallel_loop3A_71 to %parallel_loop3A_72 step %parallel_loop3A_73  : i32 {
      %parallel_loop3A_104 = arith.index_cast %parallel_loop3A_103 : i32 to index
      %parallel_loop3A_105 = tpu.vector_load %arg7[%parallel_loop3A_104] {strides = array<i32>} : memref<20000xi32, #tpu.memory_space<vmem>>, vector<16xi32>,
      %parallel_loop3A_106 = arith.index_cast %parallel_loop3A_103 : i32 to index
      %parallel_loop3A_107 = tpu.vector_load %arg9[%parallel_loop3A_106] {strides = array<i32>} : memref<20000xf32, #tpu.memory_space<vmem>>, vector<16xf32>,
      tpu.vector_store_idx %arg10[%parallel_loop3A_105], %parallel_loop3A_107 {add = true} : memref<10240xf32, #tpu.memory_space<vmem>>[vector<16xi32>], vector<16xf32>,
    } {sc.loop_unroll_factor = 8 : i64, sc.parallel_access}
    "tpu.region"() ({
      %run_scoped3A = tpu.sem_alloc : memref<!tpu.dma_semaphore, #tpu.memory_space<semaphore_mem>>
      %dma_start3A_103 = arith.constant 0 : i32
      %dma_start3A_104 = tpu.memref_slice %arg19[%arg1, %dma_start3A_103] : memref<16x10240xf32, #tpu.memory_space<vmem_shared>> -> memref<1x10240xf32, #tpu.memory_space<vmem_shared>>
      %dma_start3A_105 = tpu.memref_squeeze %dma_start3A_104 : memref<1x10240xf32, #tpu.memory_space<vmem_shared>> -> memref<10240xf32, #tpu.memory_space<vmem_shared>>
      %dma_start3A_106 = arith.constant 0 : i32
      %dma_start3A_107 = tpu.memref_slice %arg19[%arg1, %dma_start3A_106] : memref<16x10240xf32, #tpu.memory_space<vmem_shared>> -> memref<1x10240xf32, #tpu.memory_space<vmem_shared>>
      %dma_start3A_108 = tpu.memref_squeeze %dma_start3A_107 : memref<1x10240xf32, #tpu.memory_space<vmem_shared>> -> memref<10240xf32, #tpu.memory_space<vmem_shared>>
      tpu.enqueue_dma source(%arg10 : memref<10240xf32, #tpu.memory_space<vmem>>) target(%dma_start3A_108 : memref<10240xf32, #tpu.memory_space<vmem_shared>>) target_semaphore(%run_scoped3A : memref<!tpu.dma_semaphore, #tpu.memory_space<semaphore_mem>>)
      %dma_wait3A_109 = arith.constant 0 : i32
      %dma_wait3A_110 = tpu.memref_slice %arg19[%arg1, %dma_wait3A_109] : memref<16x10240xf32, #tpu.memory_space<vmem_shared>> -> memref<1x10240xf32, #tpu.memory_space<vmem_shared>>
      %dma_wait3A_111 = tpu.memref_squeeze %dma_wait3A_110 : memref<1x10240xf32, #tpu.memory_space<vmem_shared>> -> memref<10240xf32, #tpu.memory_space<vmem_shared>>
      %dma_wait3A_112 = arith.constant 0 : i32
      %dma_wait3A_113 = tpu.memref_slice %arg19[%arg1, %dma_wait3A_112] : memref<16x10240xf32, #tpu.memory_space<vmem_shared>> -> memref<1x10240xf32, #tpu.memory_space<vmem_shared>>
      %dma_wait3A_114 = tpu.memref_squeeze %dma_wait3A_113 : memref<1x10240xf32, #tpu.memory_space<vmem_shared>> -> memref<10240xf32, #tpu.memory_space<vmem_shared>>
      tpu.wait_dma2 semaphore(%run_scoped3A : memref<!tpu.dma_semaphore, #tpu.memory_space<semaphore_mem>>) src(%arg10 : memref<10240xf32, #tpu.memory_space<vmem>>) dst(%dma_wait3A_114 : memref<10240xf32, #tpu.memory_space<vmem_shared>>)
      tpu.yield
    }) : () -> ()
    %lt3A = arith.constant 15 : i32
    %lt3A_74 = arith.cmpi slt, %arg1, %lt3A : i32
    %convert_element_type3A = arith.extui %lt3A_74 : i1 to i32
    %cond3A = arith.constant 0 : i32
    %cond3A_75 = arith.cmpi ne, %convert_element_type3A, %cond3A : i32
    scf.if %cond3A_75 {
      %run_scoped3A = arith.constant 0 : i32
      "tpu.region"() ({
        %run_scoped3A_103 = tpu.sem_alloc : memref<!tpu.dma_semaphore, #tpu.memory_space<semaphore_mem>>
        %dma_start3A_104 = tpu.memref_slice %arg4[%run_scoped3A, %mul3A_0] : memref<1x10000xf32, #tpu.memory_space<hbm>> -> memref<1x640xf32, #tpu.memory_space<hbm>>
        %dma_start3A_105 = tpu.memref_squeeze %dma_start3A_104 : memref<1x640xf32, #tpu.memory_space<hbm>> -> memref<640xf32, #tpu.memory_space<hbm>>
        %dma_start3A_106 = tpu.memref_slice %arg4[%run_scoped3A, %mul3A_0] : memref<1x10000xf32, #tpu.memory_space<hbm>> -> memref<1x640xf32, #tpu.memory_space<hbm>>
        %dma_start3A_107 = tpu.memref_squeeze %dma_start3A_106 : memref<1x640xf32, #tpu.memory_space<hbm>> -> memref<640xf32, #tpu.memory_space<hbm>>
        tpu.enqueue_dma source(%dma_start3A_107 : memref<640xf32, #tpu.memory_space<hbm>>) target(%arg14 : memref<640xf32, #tpu.memory_space<vmem>>) target_semaphore(%run_scoped3A_103 : memref<!tpu.dma_semaphore, #tpu.memory_space<semaphore_mem>>)
        %dma_wait3A_108 = tpu.memref_slice %arg4[%run_scoped3A, %mul3A_0] : memref<1x10000xf32, #tpu.memory_space<hbm>> -> memref<1x640xf32, #tpu.memory_space<hbm>>
        %dma_wait3A_109 = tpu.memref_squeeze %dma_wait3A_108 : memref<1x640xf32, #tpu.memory_space<hbm>> -> memref<640xf32, #tpu.memory_space<hbm>>
        %dma_wait3A_110 = tpu.memref_slice %arg4[%run_scoped3A, %mul3A_0] : memref<1x10000xf32, #tpu.memory_space<hbm>> -> memref<1x640xf32, #tpu.memory_space<hbm>>
        %dma_wait3A_111 = tpu.memref_squeeze %dma_wait3A_110 : memref<1x640xf32, #tpu.memory_space<hbm>> -> memref<640xf32, #tpu.memory_space<hbm>>
        tpu.wait_dma2 semaphore(%run_scoped3A_103 : memref<!tpu.dma_semaphore, #tpu.memory_space<semaphore_mem>>) src(%dma_wait3A_111 : memref<640xf32, #tpu.memory_space<hbm>>) dst(%arg14 : memref<640xf32, #tpu.memory_space<vmem>>)
        tpu.yield
      }) : () -> ()
    } else {
    }
    %eq3A = arith.constant 15 : i32
    %eq3A_76 = arith.cmpi eq, %arg1, %eq3A : i32
    %convert_element_type3A_77 = arith.extui %eq3A_76 : i1 to i32
    %cond3A_78 = arith.constant 0 : i32
    %cond3A_79 = arith.cmpi ne, %convert_element_type3A_77, %cond3A_78 : i32
    scf.if %cond3A_79 {
      %run_scoped3A = arith.constant 0 : i32
      "tpu.region"() ({
        %run_scoped3A_107 = tpu.sem_alloc : memref<!tpu.dma_semaphore, #tpu.memory_space<semaphore_mem>>
        %dma_start3A_108 = arith.constant 0 : i32
        %dma_start3A_109 = tpu.memref_slice %arg14[%dma_start3A_108] : memref<640xf32, #tpu.memory_space<vmem>> -> memref<400xf32, #tpu.memory_space<vmem>>
        %dma_start3A_110 = arith.constant 9600 : i32
        %dma_start3A_111 = tpu.memref_slice %arg4[%run_scoped3A, %dma_start3A_110] : memref<1x10000xf32, #tpu.memory_space<hbm>> -> memref<1x400xf32, #tpu.memory_space<hbm>>
        %dma_start3A_112 = tpu.memref_squeeze %dma_start3A_111 : memref<1x400xf32, #tpu.memory_space<hbm>> -> memref<400xf32, #tpu.memory_space<hbm>>
        %dma_start3A_113 = arith.constant 0 : i32
        %dma_start3A_114 = tpu.memref_slice %arg14[%dma_start3A_113] : memref<640xf32, #tpu.memory_space<vmem>> -> memref<400xf32, #tpu.memory_space<vmem>>
        %dma_start3A_115 = arith.constant 9600 : i32
        %dma_start3A_116 = tpu.memref_slice %arg4[%run_scoped3A, %dma_start3A_115] : memref<1x10000xf32, #tpu.memory_space<hbm>> -> memref<1x400xf32, #tpu.memory_space<hbm>>
        %dma_start3A_117 = tpu.memref_squeeze %dma_start3A_116 : memref<1x400xf32, #tpu.memory_space<hbm>> -> memref<400xf32, #tpu.memory_space<hbm>>
        tpu.enqueue_dma source(%dma_start3A_117 : memref<400xf32, #tpu.memory_space<hbm>>) target(%dma_start3A_114 : memref<400xf32, #tpu.memory_space<vmem>>) target_semaphore(%run_scoped3A_107 : memref<!tpu.dma_semaphore, #tpu.memory_space<semaphore_mem>>)
        %dma_wait3A_118 = arith.constant 0 : i32
        %dma_wait3A_119 = tpu.memref_slice %arg14[%dma_wait3A_118] : memref<640xf32, #tpu.memory_space<vmem>> -> memref<400xf32, #tpu.memory_space<vmem>>
        %dma_wait3A_120 = arith.constant 9600 : i32
        %dma_wait3A_121 = tpu.memref_slice %arg4[%run_scoped3A, %dma_wait3A_120] : memref<1x10000xf32, #tpu.memory_space<hbm>> -> memref<1x400xf32, #tpu.memory_space<hbm>>
        %dma_wait3A_122 = tpu.memref_squeeze %dma_wait3A_121 : memref<1x400xf32, #tpu.memory_space<hbm>> -> memref<400xf32, #tpu.memory_space<hbm>>
        %dma_wait3A_123 = arith.constant 0 : i32
        %dma_wait3A_124 = tpu.memref_slice %arg14[%dma_wait3A_123] : memref<640xf32, #tpu.memory_space<vmem>> -> memref<400xf32, #tpu.memory_space<vmem>>
        %dma_wait3A_125 = arith.constant 9600 : i32
        %dma_wait3A_126 = tpu.memref_slice %arg4[%run_scoped3A, %dma_wait3A_125] : memref<1x10000xf32, #tpu.memory_space<hbm>> -> memref<1x400xf32, #tpu.memory_space<hbm>>
        %dma_wait3A_127 = tpu.memref_squeeze %dma_wait3A_126 : memref<1x400xf32, #tpu.memory_space<hbm>> -> memref<400xf32, #tpu.memory_space<hbm>>
        tpu.wait_dma2 semaphore(%run_scoped3A_107 : memref<!tpu.dma_semaphore, #tpu.memory_space<semaphore_mem>>) src(%dma_wait3A_127 : memref<400xf32, #tpu.memory_space<hbm>>) dst(%dma_wait3A_124 : memref<400xf32, #tpu.memory_space<vmem>>)
        tpu.yield
      }) : () -> ()
      %scan3A = arith.constant 0 : i32
      %scan3A_103 = arith.constant 15 : i32
      %scan3A_104 = arith.addi %scan3A, %scan3A_103 : i32
      %scan3A_105 = arith.constant 1 : i32
      scf.for %scan3A_107 = %scan3A to %scan3A_104 step %scan3A_105  : i32 {
        %mul3A_108 = arith.constant 1 : i32
        %mul3A_109 = arith.muli %scan3A_107, %mul3A_108 : i32
        %add3A_110 = arith.constant 0 : i32
        %add3A_111 = arith.addi %add3A_110, %mul3A_109 : i32
        %broadcast_in_dim3A = arith.constant 0.000000e+00 : f32
        %broadcast_in_dim3A_112 = vector.broadcast %broadcast_in_dim3A : f32 to vector<16xf32>
        %mul3A_113 = arith.constant 16 : i32
        %mul3A_114 = arith.muli %add3A_111, %mul3A_113 : i32
        %add3A_115 = arith.constant 400 : i32
        %add3A_116 = arith.addi %add3A_115, %mul3A_114 : i32
        %swap3A = arith.index_cast %add3A_116 : i32 to index
        %swap3A_117 = tpu.vector_load %arg14[%swap3A] {strides = array<i32>} : memref<640xf32, #tpu.memory_space<vmem>>, vector<16xf32>,
        tpu.vector_store %arg14[%swap3A], %broadcast_in_dim3A_112 {strides = array<i32>} : memref<640xf32, #tpu.memory_space<vmem>>, vector<16xf32>,
      }
      %scan3A_106 = arith.constant 15 : i32
    } else {
    }
    %barrier3A = arith.constant 0 : index
    tpu.barrier barrier_id(%barrier3A)
    "tpu.region"() ({
      %run_scoped3A = tpu.sem_alloc : memref<!tpu.dma_semaphore, #tpu.memory_space<semaphore_mem>>
      %dma_start3A_103 = arith.constant 0 : i32
      %dma_start3A_104 = tpu.memref_slice %arg19[%dma_start3A_103, %mul3A_0] : memref<16x10240xf32, #tpu.memory_space<vmem_shared>> -> memref<16x640xf32, #tpu.memory_space<vmem_shared>>
      %dma_start3A_105 = arith.constant 0 : i32
      %dma_start3A_106 = tpu.memref_slice %arg19[%dma_start3A_105, %mul3A_0] : memref<16x10240xf32, #tpu.memory_space<vmem_shared>> -> memref<16x640xf32, #tpu.memory_space<vmem_shared>>
      tpu.enqueue_dma source(%dma_start3A_106 : memref<16x640xf32, #tpu.memory_space<vmem_shared>>) target(%arg13 : memref<16x640xf32, #tpu.memory_space<vmem>>) target_semaphore(%run_scoped3A : memref<!tpu.dma_semaphore, #tpu.memory_space<semaphore_mem>>)
      %dma_wait3A_107 = arith.constant 0 : i32
      %dma_wait3A_108 = tpu.memref_slice %arg19[%dma_wait3A_107, %mul3A_0] : memref<16x10240xf32, #tpu.memory_space<vmem_shared>> -> memref<16x640xf32, #tpu.memory_space<vmem_shared>>
      %dma_wait3A_109 = arith.constant 0 : i32
      %dma_wait3A_110 = tpu.memref_slice %arg19[%dma_wait3A_109, %mul3A_0] : memref<16x10240xf32, #tpu.memory_space<vmem_shared>> -> memref<16x640xf32, #tpu.memory_space<vmem_shared>>
      tpu.wait_dma2 semaphore(%run_scoped3A : memref<!tpu.dma_semaphore, #tpu.memory_space<semaphore_mem>>) src(%dma_wait3A_110 : memref<16x640xf32, #tpu.memory_space<vmem_shared>>) dst(%arg13 : memref<16x640xf32, #tpu.memory_space<vmem>>)
      tpu.yield
    }) : () -> ()
    %parallel_loop3A_80 = arith.constant 0 : i32
    %parallel_loop3A_81 = arith.constant 640 : i32
    %parallel_loop3A_82 = arith.constant 16 : i32
    scf.for %parallel_loop3A_103 = %parallel_loop3A_80 to %parallel_loop3A_81 step %parallel_loop3A_82  : i32 {
      %parallel_loop3A_104 = arith.constant 0 : i32
      %parallel_loop3A_105 = arith.index_cast %parallel_loop3A_104 : i32 to index
      %parallel_loop3A_106 = arith.index_cast %parallel_loop3A_103 : i32 to index
      %parallel_loop3A_107 = tpu.vector_load %arg13[%parallel_loop3A_105, %parallel_loop3A_106] {strides = array<i32>} : memref<16x640xf32, #tpu.memory_space<vmem>>, vector<16xf32>,
      %parallel_loop3A_108 = arith.constant 1 : i32
      %parallel_loop3A_109 = arith.index_cast %parallel_loop3A_108 : i32 to index
      %parallel_loop3A_110 = arith.index_cast %parallel_loop3A_103 : i32 to index
      %parallel_loop3A_111 = tpu.vector_load %arg13[%parallel_loop3A_109, %parallel_loop3A_110] {strides = array<i32>} : memref<16x640xf32, #tpu.memory_space<vmem>>, vector<16xf32>,
      %parallel_loop3A_112 = arith.addf %parallel_loop3A_107, %parallel_loop3A_111 : vector<16xf32>
      %parallel_loop3A_113 = arith.constant 2 : i32
      %parallel_loop3A_114 = arith.index_cast %parallel_loop3A_113 : i32 to index
      %parallel_loop3A_115 = arith.index_cast %parallel_loop3A_103 : i32 to index
      %parallel_loop3A_116 = tpu.vector_load %arg13[%parallel_loop3A_114, %parallel_loop3A_115] {strides = array<i32>} : memref<16x640xf32, #tpu.memory_space<vmem>>, vector<16xf32>,
      %parallel_loop3A_117 = arith.addf %parallel_loop3A_112, %parallel_loop3A_116 : vector<16xf32>
      %parallel_loop3A_118 = arith.constant 3 : i32
      %parallel_loop3A_119 = arith.index_cast %parallel_loop3A_118 : i32 to index
      %parallel_loop3A_120 = arith.index_cast %parallel_loop3A_103 : i32 to index
      %parallel_loop3A_121 = tpu.vector_load %arg13[%parallel_loop3A_119, %parallel_loop3A_120] {strides = array<i32>} : memref<16x640xf32, #tpu.memory_space<vmem>>, vector<16xf32>,
      %parallel_loop3A_122 = arith.addf %parallel_loop3A_117, %parallel_loop3A_121 : vector<16xf32>
      %parallel_loop3A_123 = arith.constant 4 : i32
      %parallel_loop3A_124 = arith.index_cast %parallel_loop3A_123 : i32 to index
      %parallel_loop3A_125 = arith.index_cast %parallel_loop3A_103 : i32 to index
      %parallel_loop3A_126 = tpu.vector_load %arg13[%parallel_loop3A_124, %parallel_loop3A_125] {strides = array<i32>} : memref<16x640xf32, #tpu.memory_space<vmem>>, vector<16xf32>,
      %parallel_loop3A_127 = arith.addf %parallel_loop3A_122, %parallel_loop3A_126 : vector<16xf32>
      %parallel_loop3A_128 = arith.constant 5 : i32
      %parallel_loop3A_129 = arith.index_cast %parallel_loop3A_128 : i32 to index
      %parallel_loop3A_130 = arith.index_cast %parallel_loop3A_103 : i32 to index
      %parallel_loop3A_131 = tpu.vector_load %arg13[%parallel_loop3A_129, %parallel_loop3A_130] {strides = array<i32>} : memref<16x640xf32, #tpu.memory_space<vmem>>, vector<16xf32>,
      %parallel_loop3A_132 = arith.addf %parallel_loop3A_127, %parallel_loop3A_131 : vector<16xf32>
      %parallel_loop3A_133 = arith.constant 6 : i32
      %parallel_loop3A_134 = arith.index_cast %parallel_loop3A_133 : i32 to index
      %parallel_loop3A_135 = arith.index_cast %parallel_loop3A_103 : i32 to index
      %parallel_loop3A_136 = tpu.vector_load %arg13[%parallel_loop3A_134, %parallel_loop3A_135] {strides = array<i32>} : memref<16x640xf32, #tpu.memory_space<vmem>>, vector<16xf32>,
      %parallel_loop3A_137 = arith.addf %parallel_loop3A_132, %parallel_loop3A_136 : vector<16xf32>
      %parallel_loop3A_138 = arith.constant 7 : i32
      %parallel_loop3A_139 = arith.index_cast %parallel_loop3A_138 : i32 to index
      %parallel_loop3A_140 = arith.index_cast %parallel_loop3A_103 : i32 to index
      %parallel_loop3A_141 = tpu.vector_load %arg13[%parallel_loop3A_139, %parallel_loop3A_140] {strides = array<i32>} : memref<16x640xf32, #tpu.memory_space<vmem>>, vector<16xf32>,
      %parallel_loop3A_142 = arith.addf %parallel_loop3A_137, %parallel_loop3A_141 : vector<16xf32>
      %parallel_loop3A_143 = arith.constant 8 : i32
      %parallel_loop3A_144 = arith.index_cast %parallel_loop3A_143 : i32 to index
      %parallel_loop3A_145 = arith.index_cast %parallel_loop3A_103 : i32 to index
      %parallel_loop3A_146 = tpu.vector_load %arg13[%parallel_loop3A_144, %parallel_loop3A_145] {strides = array<i32>} : memref<16x640xf32, #tpu.memory_space<vmem>>, vector<16xf32>,
      %parallel_loop3A_147 = arith.addf %parallel_loop3A_142, %parallel_loop3A_146 : vector<16xf32>
      %parallel_loop3A_148 = arith.constant 9 : i32
      %parallel_loop3A_149 = arith.index_cast %parallel_loop3A_148 : i32 to index
      %parallel_loop3A_150 = arith.index_cast %parallel_loop3A_103 : i32 to index
      %parallel_loop3A_151 = tpu.vector_load %arg13[%parallel_loop3A_149, %parallel_loop3A_150] {strides = array<i32>} : memref<16x640xf32, #tpu.memory_space<vmem>>, vector<16xf32>,
      %parallel_loop3A_152 = arith.addf %parallel_loop3A_147, %parallel_loop3A_151 : vector<16xf32>
      %parallel_loop3A_153 = arith.constant 10 : i32
      %parallel_loop3A_154 = arith.index_cast %parallel_loop3A_153 : i32 to index
      %parallel_loop3A_155 = arith.index_cast %parallel_loop3A_103 : i32 to index
      %parallel_loop3A_156 = tpu.vector_load %arg13[%parallel_loop3A_154, %parallel_loop3A_155] {strides = array<i32>} : memref<16x640xf32, #tpu.memory_space<vmem>>, vector<16xf32>,
      %parallel_loop3A_157 = arith.addf %parallel_loop3A_152, %parallel_loop3A_156 : vector<16xf32>
      %parallel_loop3A_158 = arith.constant 11 : i32
      %parallel_loop3A_159 = arith.index_cast %parallel_loop3A_158 : i32 to index
      %parallel_loop3A_160 = arith.index_cast %parallel_loop3A_103 : i32 to index
      %parallel_loop3A_161 = tpu.vector_load %arg13[%parallel_loop3A_159, %parallel_loop3A_160] {strides = array<i32>} : memref<16x640xf32, #tpu.memory_space<vmem>>, vector<16xf32>,
      %parallel_loop3A_162 = arith.addf %parallel_loop3A_157, %parallel_loop3A_161 : vector<16xf32>
      %parallel_loop3A_163 = arith.constant 12 : i32
      %parallel_loop3A_164 = arith.index_cast %parallel_loop3A_163 : i32 to index
      %parallel_loop3A_165 = arith.index_cast %parallel_loop3A_103 : i32 to index
      %parallel_loop3A_166 = tpu.vector_load %arg13[%parallel_loop3A_164, %parallel_loop3A_165] {strides = array<i32>} : memref<16x640xf32, #tpu.memory_space<vmem>>, vector<16xf32>,
      %parallel_loop3A_167 = arith.addf %parallel_loop3A_162, %parallel_loop3A_166 : vector<16xf32>
      %parallel_loop3A_168 = arith.constant 13 : i32
      %parallel_loop3A_169 = arith.index_cast %parallel_loop3A_168 : i32 to index
      %parallel_loop3A_170 = arith.index_cast %parallel_loop3A_103 : i32 to index
      %parallel_loop3A_171 = tpu.vector_load %arg13[%parallel_loop3A_169, %parallel_loop3A_170] {strides = array<i32>} : memref<16x640xf32, #tpu.memory_space<vmem>>, vector<16xf32>,
      %parallel_loop3A_172 = arith.addf %parallel_loop3A_167, %parallel_loop3A_171 : vector<16xf32>
      %parallel_loop3A_173 = arith.constant 14 : i32
      %parallel_loop3A_174 = arith.index_cast %parallel_loop3A_173 : i32 to index
      %parallel_loop3A_175 = arith.index_cast %parallel_loop3A_103 : i32 to index
      %parallel_loop3A_176 = tpu.vector_load %arg13[%parallel_loop3A_174, %parallel_loop3A_175] {strides = array<i32>} : memref<16x640xf32, #tpu.memory_space<vmem>>, vector<16xf32>,
      %parallel_loop3A_177 = arith.addf %parallel_loop3A_172, %parallel_loop3A_176 : vector<16xf32>
      %parallel_loop3A_178 = arith.constant 15 : i32
      %parallel_loop3A_179 = arith.index_cast %parallel_loop3A_178 : i32 to index
      %parallel_loop3A_180 = arith.index_cast %parallel_loop3A_103 : i32 to index
      %parallel_loop3A_181 = tpu.vector_load %arg13[%parallel_loop3A_179, %parallel_loop3A_180] {strides = array<i32>} : memref<16x640xf32, #tpu.memory_space<vmem>>, vector<16xf32>,
      %parallel_loop3A_182 = arith.addf %parallel_loop3A_177, %parallel_loop3A_181 : vector<16xf32>
      %parallel_loop3A_183 = arith.constant 1.000000e+00 : f32
      %parallel_loop3A_184 = vector.broadcast %parallel_loop3A_183 : f32 to vector<16xf32>
      %parallel_loop3A_185 = arith.addf %parallel_loop3A_182, %parallel_loop3A_184 : vector<16xf32>
      %parallel_loop3A_186 = tpu.bitcast %parallel_loop3A_185 : vector<16xf32> -> vector<16xi32>
      %parallel_loop3A_187 = arith.constant 1 : i32
      %parallel_loop3A_188 = vector.broadcast %parallel_loop3A_187 : i32 to vector<16xi32>
      %parallel_loop3A_189 = arith.shrsi %parallel_loop3A_186, %parallel_loop3A_188 : vector<16xi32>
      %parallel_loop3A_190 = arith.constant 1597463007 : i32
      %parallel_loop3A_191 = vector.broadcast %parallel_loop3A_190 : i32 to vector<16xi32>
      %parallel_loop3A_192 = arith.subi %parallel_loop3A_191, %parallel_loop3A_189 : vector<16xi32>
      %parallel_loop3A_193 = tpu.bitcast %parallel_loop3A_192 : vector<16xi32> -> vector<16xf32>
      %parallel_loop3A_194 = arith.constant 5.000000e-01 : f32
      %parallel_loop3A_195 = vector.broadcast %parallel_loop3A_194 : f32 to vector<16xf32>
      %parallel_loop3A_196 = arith.mulf %parallel_loop3A_195, %parallel_loop3A_185 : vector<16xf32>
      %parallel_loop3A_197 = arith.mulf %parallel_loop3A_196, %parallel_loop3A_193 : vector<16xf32>
      %parallel_loop3A_198 = arith.mulf %parallel_loop3A_197, %parallel_loop3A_193 : vector<16xf32>
      %parallel_loop3A_199 = arith.constant 1.500000e+00 : f32
      %parallel_loop3A_200 = vector.broadcast %parallel_loop3A_199 : f32 to vector<16xf32>
      %parallel_loop3A_201 = arith.subf %parallel_loop3A_200, %parallel_loop3A_198 : vector<16xf32>
      %parallel_loop3A_202 = arith.mulf %parallel_loop3A_193, %parallel_loop3A_201 : vector<16xf32>
      %parallel_loop3A_203 = arith.constant 5.000000e-01 : f32
      %parallel_loop3A_204 = vector.broadcast %parallel_loop3A_203 : f32 to vector<16xf32>
      %parallel_loop3A_205 = arith.mulf %parallel_loop3A_204, %parallel_loop3A_185 : vector<16xf32>
      %parallel_loop3A_206 = arith.mulf %parallel_loop3A_205, %parallel_loop3A_202 : vector<16xf32>
      %parallel_loop3A_207 = arith.mulf %parallel_loop3A_206, %parallel_loop3A_202 : vector<16xf32>
      %parallel_loop3A_208 = arith.constant 1.500000e+00 : f32
      %parallel_loop3A_209 = vector.broadcast %parallel_loop3A_208 : f32 to vector<16xf32>
      %parallel_loop3A_210 = arith.subf %parallel_loop3A_209, %parallel_loop3A_207 : vector<16xf32>
      %parallel_loop3A_211 = arith.mulf %parallel_loop3A_202, %parallel_loop3A_210 : vector<16xf32>
      %parallel_loop3A_212 = arith.constant 5.000000e-01 : f32
      %parallel_loop3A_213 = vector.broadcast %parallel_loop3A_212 : f32 to vector<16xf32>
      %parallel_loop3A_214 = arith.mulf %parallel_loop3A_213, %parallel_loop3A_185 : vector<16xf32>
      %parallel_loop3A_215 = arith.mulf %parallel_loop3A_214, %parallel_loop3A_211 : vector<16xf32>
      %parallel_loop3A_216 = arith.mulf %parallel_loop3A_215, %parallel_loop3A_211 : vector<16xf32>
      %parallel_loop3A_217 = arith.constant 1.500000e+00 : f32
      %parallel_loop3A_218 = vector.broadcast %parallel_loop3A_217 : f32 to vector<16xf32>
      %parallel_loop3A_219 = arith.subf %parallel_loop3A_218, %parallel_loop3A_216 : vector<16xf32>
      %parallel_loop3A_220 = arith.mulf %parallel_loop3A_211, %parallel_loop3A_219 : vector<16xf32>
      %parallel_loop3A_221 = arith.index_cast %parallel_loop3A_103 : i32 to index
      %parallel_loop3A_222 = tpu.vector_load %arg15[%parallel_loop3A_221] {strides = array<i32>} : memref<640xf32, #tpu.memory_space<vmem>>, vector<16xf32>,
      tpu.vector_store %arg15[%parallel_loop3A_221], %parallel_loop3A_220 {strides = array<i32>} : memref<640xf32, #tpu.memory_space<vmem>>, vector<16xf32>,
      %parallel_loop3A_223 = arith.index_cast %parallel_loop3A_103 : i32 to index
      %parallel_loop3A_224 = tpu.vector_load %arg14[%parallel_loop3A_223] {strides = array<i32>} : memref<640xf32, #tpu.memory_space<vmem>>, vector<16xf32>,
      %parallel_loop3A_225 = arith.mulf %parallel_loop3A_224, %parallel_loop3A_220 : vector<16xf32>
      %parallel_loop3A_226 = arith.index_cast %parallel_loop3A_103 : i32 to index
      %parallel_loop3A_227 = tpu.vector_load %arg16[%parallel_loop3A_226] {strides = array<i32>} : memref<640xf32, #tpu.memory_space<vmem>>, vector<16xf32>,
      tpu.vector_store %arg16[%parallel_loop3A_226], %parallel_loop3A_225 {strides = array<i32>} : memref<640xf32, #tpu.memory_space<vmem>>, vector<16xf32>,
    } {sc.loop_unroll_factor = 4 : i64, sc.parallel_access}
    "tpu.region"() ({
      %run_scoped3A = tpu.sem_alloc : memref<!tpu.dma_semaphore, #tpu.memory_space<semaphore_mem>>
      %dma_start3A_103 = tpu.memref_slice %arg20[%mul3A_0] : memref<10240xf32, #tpu.memory_space<vmem_shared>> -> memref<640xf32, #tpu.memory_space<vmem_shared>>
      %dma_start3A_104 = tpu.memref_slice %arg20[%mul3A_0] : memref<10240xf32, #tpu.memory_space<vmem_shared>> -> memref<640xf32, #tpu.memory_space<vmem_shared>>
      tpu.enqueue_dma source(%arg16 : memref<640xf32, #tpu.memory_space<vmem>>) target(%dma_start3A_104 : memref<640xf32, #tpu.memory_space<vmem_shared>>) target_semaphore(%run_scoped3A : memref<!tpu.dma_semaphore, #tpu.memory_space<semaphore_mem>>)
      %dma_wait3A_105 = tpu.memref_slice %arg20[%mul3A_0] : memref<10240xf32, #tpu.memory_space<vmem_shared>> -> memref<640xf32, #tpu.memory_space<vmem_shared>>
      %dma_wait3A_106 = tpu.memref_slice %arg20[%mul3A_0] : memref<10240xf32, #tpu.memory_space<vmem_shared>> -> memref<640xf32, #tpu.memory_space<vmem_shared>>
      tpu.wait_dma2 semaphore(%run_scoped3A : memref<!tpu.dma_semaphore, #tpu.memory_space<semaphore_mem>>) src(%arg16 : memref<640xf32, #tpu.memory_space<vmem>>) dst(%dma_wait3A_106 : memref<640xf32, #tpu.memory_space<vmem_shared>>)
      tpu.yield
    }) : () -> ()
    %dma_wait3A_83 = tpu.memref_slice %arg2[%mul3A_40] : memref<640000xi32, #tpu.memory_space<hbm>> -> memref<20000xi32, #tpu.memory_space<hbm>>
    %dma_wait3A_84 = tpu.memref_slice %arg2[%mul3A_40] : memref<640000xi32, #tpu.memory_space<hbm>> -> memref<20000xi32, #tpu.memory_space<hbm>>
    tpu.wait_dma2 semaphore(%arg21 : memref<!tpu.dma_semaphore, #tpu.memory_space<semaphore_mem>>) src(%dma_wait3A_84 : memref<20000xi32, #tpu.memory_space<hbm>>) dst(%arg8 : memref<20000xi32, #tpu.memory_space<vmem>>)
    %barrier3A_85 = arith.constant 0 : index
    tpu.barrier barrier_id(%barrier3A_85)
    "tpu.region"() ({
      %run_scoped3A = tpu.sem_alloc : memref<!tpu.dma_semaphore, #tpu.memory_space<semaphore_mem>>
      tpu.enqueue_dma source(%arg20 : memref<10240xf32, #tpu.memory_space<vmem_shared>>) target(%arg12 : memref<10240xf32, #tpu.memory_space<vmem>>) target_semaphore(%run_scoped3A : memref<!tpu.dma_semaphore, #tpu.memory_space<semaphore_mem>>)
      tpu.wait_dma2 semaphore(%run_scoped3A : memref<!tpu.dma_semaphore, #tpu.memory_space<semaphore_mem>>) src(%arg20 : memref<10240xf32, #tpu.memory_space<vmem_shared>>) dst(%arg12 : memref<10240xf32, #tpu.memory_space<vmem>>)
      tpu.yield
    }) : () -> ()
    %parallel_loop3A_86 = arith.constant 0 : i32
    %parallel_loop3A_87 = arith.constant 20000 : i32
    %parallel_loop3A_88 = arith.constant 16 : i32
    scf.for %parallel_loop3A_103 = %parallel_loop3A_86 to %parallel_loop3A_87 step %parallel_loop3A_88  : i32 {
      %parallel_loop3A_104 = arith.index_cast %parallel_loop3A_103 : i32 to index
      %parallel_loop3A_105 = tpu.vector_load %arg8[%parallel_loop3A_104] {strides = array<i32>} : memref<20000xi32, #tpu.memory_space<vmem>>, vector<16xi32>,
      %parallel_loop3A_106 = tpu.vector_load_idx %arg12[%parallel_loop3A_105] : memref<10240xf32, #tpu.memory_space<vmem>>[vector<16xi32>], vector<16xf32>,
      %parallel_loop3A_107 = arith.index_cast %parallel_loop3A_103 : i32 to index
      %parallel_loop3A_108 = tpu.vector_load %arg9[%parallel_loop3A_107] {strides = array<i32>} : memref<20000xf32, #tpu.memory_space<vmem>>, vector<16xf32>,
      %parallel_loop3A_109 = arith.mulf %parallel_loop3A_106, %parallel_loop3A_108 : vector<16xf32>
      %parallel_loop3A_110 = arith.index_cast %parallel_loop3A_103 : i32 to index
      %parallel_loop3A_111 = tpu.vector_load %arg7[%parallel_loop3A_110] {strides = array<i32>} : memref<20000xi32, #tpu.memory_space<vmem>>, vector<16xi32>,
      tpu.vector_store_idx %arg11[%parallel_loop3A_111], %parallel_loop3A_109 {add = true} : memref<10240xf32, #tpu.memory_space<vmem>>[vector<16xi32>], vector<16xf32>,
    } {sc.loop_unroll_factor = 8 : i64, sc.parallel_access}
    "tpu.region"() ({
      %run_scoped3A = tpu.sem_alloc : memref<!tpu.dma_semaphore, #tpu.memory_space<semaphore_mem>>
      %dma_start3A_103 = arith.constant 0 : i32
      %dma_start3A_104 = tpu.memref_slice %arg19[%arg1, %dma_start3A_103] : memref<16x10240xf32, #tpu.memory_space<vmem_shared>> -> memref<1x10240xf32, #tpu.memory_space<vmem_shared>>
      %dma_start3A_105 = tpu.memref_squeeze %dma_start3A_104 : memref<1x10240xf32, #tpu.memory_space<vmem_shared>> -> memref<10240xf32, #tpu.memory_space<vmem_shared>>
      %dma_start3A_106 = arith.constant 0 : i32
      %dma_start3A_107 = tpu.memref_slice %arg19[%arg1, %dma_start3A_106] : memref<16x10240xf32, #tpu.memory_space<vmem_shared>> -> memref<1x10240xf32, #tpu.memory_space<vmem_shared>>
      %dma_start3A_108 = tpu.memref_squeeze %dma_start3A_107 : memref<1x10240xf32, #tpu.memory_space<vmem_shared>> -> memref<10240xf32, #tpu.memory_space<vmem_shared>>
      tpu.enqueue_dma source(%arg11 : memref<10240xf32, #tpu.memory_space<vmem>>) target(%dma_start3A_108 : memref<10240xf32, #tpu.memory_space<vmem_shared>>) target_semaphore(%run_scoped3A : memref<!tpu.dma_semaphore, #tpu.memory_space<semaphore_mem>>)
      %dma_wait3A_109 = arith.constant 0 : i32
      %dma_wait3A_110 = tpu.memref_slice %arg19[%arg1, %dma_wait3A_109] : memref<16x10240xf32, #tpu.memory_space<vmem_shared>> -> memref<1x10240xf32, #tpu.memory_space<vmem_shared>>
      %dma_wait3A_111 = tpu.memref_squeeze %dma_wait3A_110 : memref<1x10240xf32, #tpu.memory_space<vmem_shared>> -> memref<10240xf32, #tpu.memory_space<vmem_shared>>
      %dma_wait3A_112 = arith.constant 0 : i32
      %dma_wait3A_113 = tpu.memref_slice %arg19[%arg1, %dma_wait3A_112] : memref<16x10240xf32, #tpu.memory_space<vmem_shared>> -> memref<1x10240xf32, #tpu.memory_space<vmem_shared>>
      %dma_wait3A_114 = tpu.memref_squeeze %dma_wait3A_113 : memref<1x10240xf32, #tpu.memory_space<vmem_shared>> -> memref<10240xf32, #tpu.memory_space<vmem_shared>>
      tpu.wait_dma2 semaphore(%run_scoped3A : memref<!tpu.dma_semaphore, #tpu.memory_space<semaphore_mem>>) src(%arg11 : memref<10240xf32, #tpu.memory_space<vmem>>) dst(%dma_wait3A_114 : memref<10240xf32, #tpu.memory_space<vmem_shared>>)
      tpu.yield
    }) : () -> ()
    %barrier3A_89 = arith.constant 0 : index
    tpu.barrier barrier_id(%barrier3A_89)
    "tpu.region"() ({
      %run_scoped3A = tpu.sem_alloc : memref<!tpu.dma_semaphore, #tpu.memory_space<semaphore_mem>>
      %dma_start3A_103 = arith.constant 0 : i32
      %dma_start3A_104 = tpu.memref_slice %arg19[%dma_start3A_103, %mul3A_0] : memref<16x10240xf32, #tpu.memory_space<vmem_shared>> -> memref<16x640xf32, #tpu.memory_space<vmem_shared>>
      %dma_start3A_105 = arith.constant 0 : i32
      %dma_start3A_106 = tpu.memref_slice %arg19[%dma_start3A_105, %mul3A_0] : memref<16x10240xf32, #tpu.memory_space<vmem_shared>> -> memref<16x640xf32, #tpu.memory_space<vmem_shared>>
      tpu.enqueue_dma source(%dma_start3A_106 : memref<16x640xf32, #tpu.memory_space<vmem_shared>>) target(%arg13 : memref<16x640xf32, #tpu.memory_space<vmem>>) target_semaphore(%run_scoped3A : memref<!tpu.dma_semaphore, #tpu.memory_space<semaphore_mem>>)
      %dma_wait3A_107 = arith.constant 0 : i32
      %dma_wait3A_108 = tpu.memref_slice %arg19[%dma_wait3A_107, %mul3A_0] : memref<16x10240xf32, #tpu.memory_space<vmem_shared>> -> memref<16x640xf32, #tpu.memory_space<vmem_shared>>
      %dma_wait3A_109 = arith.constant 0 : i32
      %dma_wait3A_110 = tpu.memref_slice %arg19[%dma_wait3A_109, %mul3A_0] : memref<16x10240xf32, #tpu.memory_space<vmem_shared>> -> memref<16x640xf32, #tpu.memory_space<vmem_shared>>
      tpu.wait_dma2 semaphore(%run_scoped3A : memref<!tpu.dma_semaphore, #tpu.memory_space<semaphore_mem>>) src(%dma_wait3A_110 : memref<16x640xf32, #tpu.memory_space<vmem_shared>>) dst(%arg13 : memref<16x640xf32, #tpu.memory_space<vmem>>)
      tpu.yield
    }) : () -> ()
    tpu.wait_dma2 semaphore(%arg21 : memref<!tpu.dma_semaphore, #tpu.memory_space<semaphore_mem>>) src(%arg5 : memref<1x16xf32, #tpu.memory_space<hbm>>) dst(%arg18 : memref<1x16xf32, #tpu.memory_space<vmem>>)
    %parallel_loop3A_90 = arith.constant 0 : i32
    %parallel_loop3A_91 = arith.constant 640 : i32
    %parallel_loop3A_92 = arith.constant 16 : i32
    scf.for %parallel_loop3A_103 = %parallel_loop3A_90 to %parallel_loop3A_91 step %parallel_loop3A_92  : i32 {
      %parallel_loop3A_104 = arith.constant 0 : i32
      %parallel_loop3A_105 = arith.index_cast %parallel_loop3A_104 : i32 to index
      %parallel_loop3A_106 = arith.constant 0 : index
      %parallel_loop3A_107 = tpu.vector_load %arg18[%parallel_loop3A_105, %parallel_loop3A_106] {strides = array<i32>} : memref<1x16xf32, #tpu.memory_space<vmem>>, vector<16xf32>,
      %parallel_loop3A_108 = arith.index_cast %parallel_loop3A_103 : i32 to index
      %parallel_loop3A_109 = tpu.vector_load %arg15[%parallel_loop3A_108] {strides = array<i32>} : memref<640xf32, #tpu.memory_space<vmem>>, vector<16xf32>,
      %parallel_loop3A_110 = arith.constant 0 : i32
      %parallel_loop3A_111 = arith.index_cast %parallel_loop3A_110 : i32 to index
      %parallel_loop3A_112 = arith.index_cast %parallel_loop3A_103 : i32 to index
      %parallel_loop3A_113 = tpu.vector_load %arg13[%parallel_loop3A_111, %parallel_loop3A_112] {strides = array<i32>} : memref<16x640xf32, #tpu.memory_space<vmem>>, vector<16xf32>,
      %parallel_loop3A_114 = arith.constant 1 : i32
      %parallel_loop3A_115 = arith.index_cast %parallel_loop3A_114 : i32 to index
      %parallel_loop3A_116 = arith.index_cast %parallel_loop3A_103 : i32 to index
      %parallel_loop3A_117 = tpu.vector_load %arg13[%parallel_loop3A_115, %parallel_loop3A_116] {strides = array<i32>} : memref<16x640xf32, #tpu.memory_space<vmem>>, vector<16xf32>,
      %parallel_loop3A_118 = arith.addf %parallel_loop3A_113, %parallel_loop3A_117 : vector<16xf32>
      %parallel_loop3A_119 = arith.constant 2 : i32
      %parallel_loop3A_120 = arith.index_cast %parallel_loop3A_119 : i32 to index
      %parallel_loop3A_121 = arith.index_cast %parallel_loop3A_103 : i32 to index
      %parallel_loop3A_122 = tpu.vector_load %arg13[%parallel_loop3A_120, %parallel_loop3A_121] {strides = array<i32>} : memref<16x640xf32, #tpu.memory_space<vmem>>, vector<16xf32>,
      %parallel_loop3A_123 = arith.addf %parallel_loop3A_118, %parallel_loop3A_122 : vector<16xf32>
      %parallel_loop3A_124 = arith.constant 3 : i32
      %parallel_loop3A_125 = arith.index_cast %parallel_loop3A_124 : i32 to index
      %parallel_loop3A_126 = arith.index_cast %parallel_loop3A_103 : i32 to index
      %parallel_loop3A_127 = tpu.vector_load %arg13[%parallel_loop3A_125, %parallel_loop3A_126] {strides = array<i32>} : memref<16x640xf32, #tpu.memory_space<vmem>>, vector<16xf32>,
      %parallel_loop3A_128 = arith.addf %parallel_loop3A_123, %parallel_loop3A_127 : vector<16xf32>
      %parallel_loop3A_129 = arith.constant 4 : i32
      %parallel_loop3A_130 = arith.index_cast %parallel_loop3A_129 : i32 to index
      %parallel_loop3A_131 = arith.index_cast %parallel_loop3A_103 : i32 to index
      %parallel_loop3A_132 = tpu.vector_load %arg13[%parallel_loop3A_130, %parallel_loop3A_131] {strides = array<i32>} : memref<16x640xf32, #tpu.memory_space<vmem>>, vector<16xf32>,
      %parallel_loop3A_133 = arith.addf %parallel_loop3A_128, %parallel_loop3A_132 : vector<16xf32>
      %parallel_loop3A_134 = arith.constant 5 : i32
      %parallel_loop3A_135 = arith.index_cast %parallel_loop3A_134 : i32 to index
      %parallel_loop3A_136 = arith.index_cast %parallel_loop3A_103 : i32 to index
      %parallel_loop3A_137 = tpu.vector_load %arg13[%parallel_loop3A_135, %parallel_loop3A_136] {strides = array<i32>} : memref<16x640xf32, #tpu.memory_space<vmem>>, vector<16xf32>,
      %parallel_loop3A_138 = arith.addf %parallel_loop3A_133, %parallel_loop3A_137 : vector<16xf32>
      %parallel_loop3A_139 = arith.constant 6 : i32
      %parallel_loop3A_140 = arith.index_cast %parallel_loop3A_139 : i32 to index
      %parallel_loop3A_141 = arith.index_cast %parallel_loop3A_103 : i32 to index
      %parallel_loop3A_142 = tpu.vector_load %arg13[%parallel_loop3A_140, %parallel_loop3A_141] {strides = array<i32>} : memref<16x640xf32, #tpu.memory_space<vmem>>, vector<16xf32>,
      %parallel_loop3A_143 = arith.addf %parallel_loop3A_138, %parallel_loop3A_142 : vector<16xf32>
      %parallel_loop3A_144 = arith.constant 7 : i32
      %parallel_loop3A_145 = arith.index_cast %parallel_loop3A_144 : i32 to index
      %parallel_loop3A_146 = arith.index_cast %parallel_loop3A_103 : i32 to index
      %parallel_loop3A_147 = tpu.vector_load %arg13[%parallel_loop3A_145, %parallel_loop3A_146] {strides = array<i32>} : memref<16x640xf32, #tpu.memory_space<vmem>>, vector<16xf32>,
      %parallel_loop3A_148 = arith.addf %parallel_loop3A_143, %parallel_loop3A_147 : vector<16xf32>
      %parallel_loop3A_149 = arith.constant 8 : i32
      %parallel_loop3A_150 = arith.index_cast %parallel_loop3A_149 : i32 to index
      %parallel_loop3A_151 = arith.index_cast %parallel_loop3A_103 : i32 to index
      %parallel_loop3A_152 = tpu.vector_load %arg13[%parallel_loop3A_150, %parallel_loop3A_151] {strides = array<i32>} : memref<16x640xf32, #tpu.memory_space<vmem>>, vector<16xf32>,
      %parallel_loop3A_153 = arith.addf %parallel_loop3A_148, %parallel_loop3A_152 : vector<16xf32>
      %parallel_loop3A_154 = arith.constant 9 : i32
      %parallel_loop3A_155 = arith.index_cast %parallel_loop3A_154 : i32 to index
      %parallel_loop3A_156 = arith.index_cast %parallel_loop3A_103 : i32 to index
      %parallel_loop3A_157 = tpu.vector_load %arg13[%parallel_loop3A_155, %parallel_loop3A_156] {strides = array<i32>} : memref<16x640xf32, #tpu.memory_space<vmem>>, vector<16xf32>,
      %parallel_loop3A_158 = arith.addf %parallel_loop3A_153, %parallel_loop3A_157 : vector<16xf32>
      %parallel_loop3A_159 = arith.constant 10 : i32
      %parallel_loop3A_160 = arith.index_cast %parallel_loop3A_159 : i32 to index
      %parallel_loop3A_161 = arith.index_cast %parallel_loop3A_103 : i32 to index
      %parallel_loop3A_162 = tpu.vector_load %arg13[%parallel_loop3A_160, %parallel_loop3A_161] {strides = array<i32>} : memref<16x640xf32, #tpu.memory_space<vmem>>, vector<16xf32>,
      %parallel_loop3A_163 = arith.addf %parallel_loop3A_158, %parallel_loop3A_162 : vector<16xf32>
      %parallel_loop3A_164 = arith.constant 11 : i32
      %parallel_loop3A_165 = arith.index_cast %parallel_loop3A_164 : i32 to index
      %parallel_loop3A_166 = arith.index_cast %parallel_loop3A_103 : i32 to index
      %parallel_loop3A_167 = tpu.vector_load %arg13[%parallel_loop3A_165, %parallel_loop3A_166] {strides = array<i32>} : memref<16x640xf32, #tpu.memory_space<vmem>>, vector<16xf32>,
      %parallel_loop3A_168 = arith.addf %parallel_loop3A_163, %parallel_loop3A_167 : vector<16xf32>
      %parallel_loop3A_169 = arith.constant 12 : i32
      %parallel_loop3A_170 = arith.index_cast %parallel_loop3A_169 : i32 to index
      %parallel_loop3A_171 = arith.index_cast %parallel_loop3A_103 : i32 to index
      %parallel_loop3A_172 = tpu.vector_load %arg13[%parallel_loop3A_170, %parallel_loop3A_171] {strides = array<i32>} : memref<16x640xf32, #tpu.memory_space<vmem>>, vector<16xf32>,
      %parallel_loop3A_173 = arith.addf %parallel_loop3A_168, %parallel_loop3A_172 : vector<16xf32>
      %parallel_loop3A_174 = arith.constant 13 : i32
      %parallel_loop3A_175 = arith.index_cast %parallel_loop3A_174 : i32 to index
      %parallel_loop3A_176 = arith.index_cast %parallel_loop3A_103 : i32 to index
      %parallel_loop3A_177 = tpu.vector_load %arg13[%parallel_loop3A_175, %parallel_loop3A_176] {strides = array<i32>} : memref<16x640xf32, #tpu.memory_space<vmem>>, vector<16xf32>,
      %parallel_loop3A_178 = arith.addf %parallel_loop3A_173, %parallel_loop3A_177 : vector<16xf32>
      %parallel_loop3A_179 = arith.constant 14 : i32
      %parallel_loop3A_180 = arith.index_cast %parallel_loop3A_179 : i32 to index
      %parallel_loop3A_181 = arith.index_cast %parallel_loop3A_103 : i32 to index
      %parallel_loop3A_182 = tpu.vector_load %arg13[%parallel_loop3A_180, %parallel_loop3A_181] {strides = array<i32>} : memref<16x640xf32, #tpu.memory_space<vmem>>, vector<16xf32>,
      %parallel_loop3A_183 = arith.addf %parallel_loop3A_178, %parallel_loop3A_182 : vector<16xf32>
      %parallel_loop3A_184 = arith.constant 15 : i32
      %parallel_loop3A_185 = arith.index_cast %parallel_loop3A_184 : i32 to index
      %parallel_loop3A_186 = arith.index_cast %parallel_loop3A_103 : i32 to index
      %parallel_loop3A_187 = tpu.vector_load %arg13[%parallel_loop3A_185, %parallel_loop3A_186] {strides = array<i32>} : memref<16x640xf32, #tpu.memory_space<vmem>>, vector<16xf32>,
      %parallel_loop3A_188 = arith.addf %parallel_loop3A_183, %parallel_loop3A_187 : vector<16xf32>
      %parallel_loop3A_189 = arith.index_cast %parallel_loop3A_103 : i32 to index
      %parallel_loop3A_190 = tpu.vector_load %arg16[%parallel_loop3A_189] {strides = array<i32>} : memref<640xf32, #tpu.memory_space<vmem>>, vector<16xf32>,
      %parallel_loop3A_191 = arith.addf %parallel_loop3A_188, %parallel_loop3A_190 : vector<16xf32>
      %parallel_loop3A_192 = arith.mulf %parallel_loop3A_109, %parallel_loop3A_191 : vector<16xf32>
      %parallel_loop3A_193 = arith.addf %parallel_loop3A_107, %parallel_loop3A_192 : vector<16xf32>
      %parallel_loop3A_194 = math.exp %parallel_loop3A_193 : vector<16xf32>
      %parallel_loop3A_195 = arith.constant 1.000000e+00 : f32
      %parallel_loop3A_196 = vector.broadcast %parallel_loop3A_195 : f32 to vector<16xf32>
      %parallel_loop3A_197 = arith.addf %parallel_loop3A_196, %parallel_loop3A_194 : vector<16xf32>
      %parallel_loop3A_198 = arith.mulf %parallel_loop3A_197, %parallel_loop3A_197 : vector<16xf32>
      %parallel_loop3A_199 = arith.constant 1.500000e+01 : f32
      %parallel_loop3A_200 = vector.broadcast %parallel_loop3A_199 : f32 to vector<16xf32>
      %parallel_loop3A_201 = arith.cmpf ogt, %parallel_loop3A_193, %parallel_loop3A_200 : vector<16xf32>
      %parallel_loop3A_202 = arith.constant 1.000000e+00 : f32
      %parallel_loop3A_203 = vector.broadcast %parallel_loop3A_202 : f32 to vector<16xf32>
      %parallel_loop3A_204 = arith.subf %parallel_loop3A_198, %parallel_loop3A_203 : vector<16xf32>
      %parallel_loop3A_205 = arith.mulf %parallel_loop3A_193, %parallel_loop3A_204 : vector<16xf32>
      %parallel_loop3A_206 = arith.constant 1.000000e+00 : f32
      %parallel_loop3A_207 = vector.broadcast %parallel_loop3A_206 : f32 to vector<16xf32>
      %parallel_loop3A_208 = arith.addf %parallel_loop3A_198, %parallel_loop3A_207 : vector<16xf32>
      %parallel_loop3A_209 = arith.divf %parallel_loop3A_205, %parallel_loop3A_208 : vector<16xf32>
      %parallel_loop3A_210 = arith.select %parallel_loop3A_201, %parallel_loop3A_193, %parallel_loop3A_209 : vector<16xi1>, vector<16xf32>
      %parallel_loop3A_211 = arith.index_cast %parallel_loop3A_103 : i32 to index
      %parallel_loop3A_212 = tpu.vector_load %arg17[%parallel_loop3A_211] {strides = array<i32>} : memref<640xf32, #tpu.memory_space<vmem>>, vector<16xf32>,
      tpu.vector_store %arg17[%parallel_loop3A_211], %parallel_loop3A_210 {strides = array<i32>} : memref<640xf32, #tpu.memory_space<vmem>>, vector<16xf32>,
    } {sc.loop_unroll_factor = 4 : i64, sc.parallel_access}
    %lt3A_93 = arith.constant 15 : i32
    %lt3A_94 = arith.cmpi slt, %arg1, %lt3A_93 : i32
    %convert_element_type3A_95 = arith.extui %lt3A_94 : i1 to i32
    %cond3A_96 = arith.constant 0 : i32
    %cond3A_97 = arith.cmpi ne, %convert_element_type3A_95, %cond3A_96 : i32
    scf.if %cond3A_97 {
      %run_scoped3A = arith.constant 0 : i32
      "tpu.region"() ({
        %run_scoped3A_103 = tpu.sem_alloc : memref<!tpu.dma_semaphore, #tpu.memory_space<semaphore_mem>>
        %dma_start3A_104 = tpu.memref_slice %arg6[%run_scoped3A, %mul3A_0] : memref<1x10000xf32, #tpu.memory_space<hbm>> -> memref<1x640xf32, #tpu.memory_space<hbm>>
        %dma_start3A_105 = tpu.memref_squeeze %dma_start3A_104 : memref<1x640xf32, #tpu.memory_space<hbm>> -> memref<640xf32, #tpu.memory_space<hbm>>
        %dma_start3A_106 = tpu.memref_slice %arg6[%run_scoped3A, %mul3A_0] : memref<1x10000xf32, #tpu.memory_space<hbm>> -> memref<1x640xf32, #tpu.memory_space<hbm>>
        %dma_start3A_107 = tpu.memref_squeeze %dma_start3A_106 : memref<1x640xf32, #tpu.memory_space<hbm>> -> memref<640xf32, #tpu.memory_space<hbm>>
        tpu.enqueue_dma source(%arg17 : memref<640xf32, #tpu.memory_space<vmem>>) target(%dma_start3A_107 : memref<640xf32, #tpu.memory_space<hbm>>) target_semaphore(%run_scoped3A_103 : memref<!tpu.dma_semaphore, #tpu.memory_space<semaphore_mem>>)
        %dma_wait3A_108 = tpu.memref_slice %arg6[%run_scoped3A, %mul3A_0] : memref<1x10000xf32, #tpu.memory_space<hbm>> -> memref<1x640xf32, #tpu.memory_space<hbm>>
        %dma_wait3A_109 = tpu.memref_squeeze %dma_wait3A_108 : memref<1x640xf32, #tpu.memory_space<hbm>> -> memref<640xf32, #tpu.memory_space<hbm>>
        %dma_wait3A_110 = tpu.memref_slice %arg6[%run_scoped3A, %mul3A_0] : memref<1x10000xf32, #tpu.memory_space<hbm>> -> memref<1x640xf32, #tpu.memory_space<hbm>>
        %dma_wait3A_111 = tpu.memref_squeeze %dma_wait3A_110 : memref<1x640xf32, #tpu.memory_space<hbm>> -> memref<640xf32, #tpu.memory_space<hbm>>
        tpu.wait_dma2 semaphore(%run_scoped3A_103 : memref<!tpu.dma_semaphore, #tpu.memory_space<semaphore_mem>>) src(%arg17 : memref<640xf32, #tpu.memory_space<vmem>>) dst(%dma_wait3A_111 : memref<640xf32, #tpu.memory_space<hbm>>)
        tpu.yield
      }) : () -> ()
    } else {
    }
    %eq3A_98 = arith.constant 15 : i32
    %eq3A_99 = arith.cmpi eq, %arg1, %eq3A_98 : i32
    %convert_element_type3A_100 = arith.extui %eq3A_99 : i1 to i32
    %cond3A_101 = arith.constant 0 : i32
    %cond3A_102 = arith.cmpi ne, %convert_element_type3A_100, %cond3A_101 : i32
    scf.if %cond3A_102 {
      %run_scoped3A = arith.constant 0 : i32
      "tpu.region"() ({
        %run_scoped3A_103 = tpu.sem_alloc : memref<!tpu.dma_semaphore, #tpu.memory_space<semaphore_mem>>
        %dma_start3A_104 = arith.constant 0 : i32
        %dma_start3A_105 = tpu.memref_slice %arg17[%dma_start3A_104] : memref<640xf32, #tpu.memory_space<vmem>> -> memref<400xf32, #tpu.memory_space<vmem>>
        %dma_start3A_106 = arith.constant 9600 : i32
        %dma_start3A_107 = tpu.memref_slice %arg6[%run_scoped3A, %dma_start3A_106] : memref<1x10000xf32, #tpu.memory_space<hbm>> -> memref<1x400xf32, #tpu.memory_space<hbm>>
        %dma_start3A_108 = tpu.memref_squeeze %dma_start3A_107 : memref<1x400xf32, #tpu.memory_space<hbm>> -> memref<400xf32, #tpu.memory_space<hbm>>
        %dma_start3A_109 = arith.constant 9600 : i32
        %dma_start3A_110 = tpu.memref_slice %arg6[%run_scoped3A, %dma_start3A_109] : memref<1x10000xf32, #tpu.memory_space<hbm>> -> memref<1x400xf32, #tpu.memory_space<hbm>>
        %dma_start3A_111 = tpu.memref_squeeze %dma_start3A_110 : memref<1x400xf32, #tpu.memory_space<hbm>> -> memref<400xf32, #tpu.memory_space<hbm>>
        %dma_start3A_112 = arith.constant 0 : i32
        %dma_start3A_113 = tpu.memref_slice %arg17[%dma_start3A_112] : memref<640xf32, #tpu.memory_space<vmem>> -> memref<400xf32, #tpu.memory_space<vmem>>
        tpu.enqueue_dma source(%dma_start3A_113 : memref<400xf32, #tpu.memory_space<vmem>>) target(%dma_start3A_111 : memref<400xf32, #tpu.memory_space<hbm>>) target_semaphore(%run_scoped3A_103 : memref<!tpu.dma_semaphore, #tpu.memory_space<semaphore_mem>>)
        %dma_wait3A_114 = arith.constant 0 : i32
        %dma_wait3A_115 = tpu.memref_slice %arg17[%dma_wait3A_114] : memref<640xf32, #tpu.memory_space<vmem>> -> memref<400xf32, #tpu.memory_space<vmem>>
        %dma_wait3A_116 = arith.constant 9600 : i32
        %dma_wait3A_117 = tpu.memref_slice %arg6[%run_scoped3A, %dma_wait3A_116] : memref<1x10000xf32, #tpu.memory_space<hbm>> -> memref<1x400xf32, #tpu.memory_space<hbm>>
        %dma_wait3A_118 = tpu.memref_squeeze %dma_wait3A_117 : memref<1x400xf32, #tpu.memory_space<hbm>> -> memref<400xf32, #tpu.memory_space<hbm>>
        %dma_wait3A_119 = arith.constant 9600 : i32
        %dma_wait3A_120 = tpu.memref_slice %arg6[%run_scoped3A, %dma_wait3A_119] : memref<1x10000xf32, #tpu.memory_space<hbm>> -> memref<1x400xf32, #tpu.memory_space<hbm>>
        %dma_wait3A_121 = tpu.memref_squeeze %dma_wait3A_120 : memref<1x400xf32, #tpu.memory_space<hbm>> -> memref<400xf32, #tpu.memory_space<hbm>>
        %dma_wait3A_122 = arith.constant 0 : i32
        %dma_wait3A_123 = tpu.memref_slice %arg17[%dma_wait3A_122] : memref<640xf32, #tpu.memory_space<vmem>> -> memref<400xf32, #tpu.memory_space<vmem>>
        tpu.wait_dma2 semaphore(%run_scoped3A_103 : memref<!tpu.dma_semaphore, #tpu.memory_space<semaphore_mem>>) src(%dma_wait3A_123 : memref<400xf32, #tpu.memory_space<vmem>>) dst(%dma_wait3A_121 : memref<400xf32, #tpu.memory_space<hbm>>)
        tpu.yield
      }) : () -> ()
    } else {
    }
    return
  }
}

module attributes {stable_mosaic.version = 14 : i64} {
  func.func @_mv_body(%arg0: memref<1x128xf32, #tpu.memory_space<vmem>>, %arg1: memref<10000x128xf32, #tpu.memory_space<vmem>>, %arg2: memref<1x1xf32, #tpu.memory_space<vmem>>, %arg3: memref<1x10000xf32, #tpu.memory_space<vmem>>, %arg4: memref<1x16xf32, #tpu.memory_space<vmem>>) attributes {dimension_semantics = [], scalar_prefetch = 0 : i64, scratch_operands = 0 : i64, tpu.core_type = #tpu.core_type<tc>} {
    %get3A = arith.constant 0 : index
    %get3A_0 = arith.constant 0 : index
    %get3A_1 = vector.load %arg0[%get3A, %get3A_0] : memref<1x128xf32, #tpu.memory_space<vmem>>, vector<1x128xf32>
    %get3A_2 = arith.constant 0 : index
    %get3A_3 = arith.constant 0 : index
    %get3A_4 = vector.load %arg1[%get3A_2, %get3A_3] : memref<10000x128xf32, #tpu.memory_space<vmem>>, vector<10000x128xf32>
    %dot_general3A = arith.constant dense<0.000000e+00> : vector<1x10000xf32>
    %dot_general3A_5 = tpu.matmul %get3A_1, %get3A_4, %dot_general3A {dimension_numbers = #tpu.dot_dimension_numbers<[1], [1], [0], [0], [0, 0, 1, 0], [], []>, transpose_lhs_hint = false} : vector<1x128xf32>, vector<10000x128xf32>, vector<1x10000xf32> -> vector<1x10000xf32>
    %swap3A = arith.constant 0 : index
    %swap3A_6 = arith.constant 0 : index
    %swap3A_7 = vector.load %arg3[%swap3A, %swap3A_6] : memref<1x10000xf32, #tpu.memory_space<vmem>>, vector<1x10000xf32>
    tpu.vector_store %arg3[%swap3A, %swap3A_6], %dot_general3A_5 {strides = array<i32>} : memref<1x10000xf32, #tpu.memory_space<vmem>>, vector<1x10000xf32>,
    %get3A_8 = arith.constant 0 : index
    %get3A_9 = arith.constant 0 : index
    %get3A_10 = vector.load %arg2[%get3A_8, %get3A_9] : memref<1x1xf32, #tpu.memory_space<vmem>>, vector<1x1xf32>
    %get3A_11 = vector.extract %get3A_10[0, 0] : f32 from vector<1x1xf32>
    %broadcast_in_dim3A = vector.broadcast %get3A_11 : f32 to vector<1x16xf32>
    %swap3A_12 = arith.constant 0 : index
    %swap3A_13 = arith.constant 0 : index
    %swap3A_14 = vector.load %arg4[%swap3A_12, %swap3A_13] : memref<1x16xf32, #tpu.memory_space<vmem>>, vector<1x16xf32>
    tpu.vector_store %arg4[%swap3A_12, %swap3A_13], %broadcast_in_dim3A {strides = array<i32>} : memref<1x16xf32, #tpu.memory_space<vmem>>, vector<1x16xf32>,
    return
  }
}

</mosaic_0001>

<sc_bundles>
// kernel: kernel.4.cloned.1.call-start
scs
__scs_entry_jumppad:
0x0: {  	(pc) =	sbr.rel $0x88, $3  }
0x1: {  	(tag) =	ssettag $0x0;
	lr =	simm.s32 $0x1  }
0x2: {  	[smem:$0x3F9C] =	sst lr;
	_ =	strace $0xD0000000  }
0x3: {  	_ = 	snop  }
0x4: {  	_ = 	snop  }
0x5: {  	_ = 	snop  }
0x6: {  	_ = 	snop  }
0x7: {  	_ = 	snop  }
__scs_overlays_trampoline_lowered:
0x8: {  	[smem:$0x3FAB] =	sst s0  }
0x9: {  	[smem:$0x3FAC] =	sst s1  }
0xa: {  	[smem:$0x3FAD] =	sst s2  }
0xb: {  	[smem:$0x3FAE] =	sst s3  }
0xc: {  	[smem:$0x3FAF] =	sst s4  }
0xd: {  	[smem:$0x3FB0] =	sst s5  }
0xe: {  	[smem:$0x3FB1] =	sst s6  }
0xf: {  	[smem:$0x3FB2] =	sst s7  }
0x10: {  	[smem:$0x3FB3] =	sst s8  }
0x11: {  	[smem:$0x3FB4] =	sst s9;
	s0 =	simm.s32 @!p0 $0x0  }
0x12: {  	s1 =	sld [smem:$0x3F9A];
	s0 =	simm.s32 @p0 $0x1  }
0x13: {  	[smem:$0x3FB5] =	sst s0;
	s0 =	simm.s32 @!p1 $0x0  }
0x14: {  	s2 =	sld [smem:$0x3F99];
	s0 =	simm.s32 @p1 $0x1  }
0x15: {  	[smem:$0x3FB6] =	sst s0;
	s0 =	simm.s32 @!p2 $0x0  }
0x16: {  	s3 =	sld [smem:$0x3FDB];
	s0 =	simm.s32 @p2 $0x1  }
0x17: {  	s4 =	simm.s32 $0x1BF5;
	[smem:$0x3FB8] =	sst s0  }
0x18: {  	s0 =	sld [smem:$0x3F9B];
	_ =	swait.ge [sflag:s4], $0x0  }
0x19: {  	s7 =	sld [smem:$0x3F9C]  }
0x1a: {  	s8 =	sadd.s32 $0xFFFFE003, lr  }
0x1b: {  	s9 =	sadd.s32 $0xFFFFFEF7, lr;
	s5 =	simm.s32 $0xFFFFFFFF;
	p2 =	slt.u32 s8, $0xFFFFF086  }
0x1c: {  	p1 =	slt.u32 s9, $0xF7A;
	s5 =	simm.s32 @!p2 $0x0  }
0x1d: {  	s5 =	simm.s32 @p1 $0x1;
	p0 =	seq.s32 s7, s2  }
0x1e: {  	s7 =	smul.u32 @!p0 $0xF7A, s2;
	p2 =	seq.s32 @!p0 s5, $0x0  }
0x1f: {  	s9 =	smul.u32 $0xF7A, s1;
	s8 =	simm.s32 @!p0 $0x1BF5;
	p2 =	por !p2, p0  }
0x20: {  	[sflag:s8] =	ssyncset.s32 @!p0 $0xFFFFF086;
	s6 =	sadd.s32 @!p0 s3, s7;
	s7 =	simm.s32 @!p0 $0x108  }
0x21: {  	s3 =	sadd.s32 s3, s9;
	s6 =	sadd.s32 @!p0 $0x88, s6;
	s7 =	simm.s32 @p2 $0x1082  }
0x22: {  	[simem:s7], [sflag:s8] =	dma.local @!p0 [hbm:s6], $0xF7A  }
0x23: {  	s9 =	sor.u32 $0xD0000000, s2;
	s6 =	simm.s32 $0x108;
	_ =	swait.ge @!p0 [sflag:s8], $0x0  }
0x24: {  	s3 =	sadd.s32 $0x88, s3;
	s6 =	simm.s32 @!p1 $0x1082;
	[sflag:s4] =	ssyncset.s32 $0xFFFFF086  }
0x25: {  	[simem:s6], [sflag:s4] =	dma.local [hbm:s3], $0xF7A  }
0x26: {  	[smem:$0x3F9C] =	sst s1;
	(tag) =	ssettag s2;
	_ =	strace s9  }
0x27: {  	s1 =	sld [smem:$0x3FAC]  }
0x28: {  	s2 =	sld [smem:$0x3FAD]  }
0x29: {  	s4 =	sld [smem:$0x3FAF]  }
0x2a: {  	p0 =	seq.s32 s5, $0x0;
	s5 =	sld [smem:$0x3FB0]  }
0x2b: {  	s6 =	sld [smem:$0x3FB1]  }
0x2c: {  	s7 =	sld [smem:$0x3FB2]  }
0x2d: {  	s3 =	simm.s32 $0x108;
	s8 =	sld [smem:$0x3FB3]  }
0x2e: {  	s3 =	simm.s32 @!p0 $0x1082;
	s9 =	sld [smem:$0x3FB4]  }
0x2f: {  	lr =	sadd.s32 s0, s3;
	s0 =	sld [smem:$0x3FAB]  }
0x30: {  	s3 =	sld [smem:$0x3FAE]  }
0x31: {  	[smem:$0x3FB7] =	sst s10  }
0x32: {  	s10 =	sld [smem:$0x3FB5];
	_ =	sdelay $0x3  }
0x33: {  	p0 =	seq.s32 s10, $0x1;
	s10 =	sld [smem:$0x3FB7];
	_ =	sdelay $0x3  }
0x34: {  	[smem:$0x3FB7] =	sst s10  }
0x35: {  	s10 =	sld [smem:$0x3FB6];
	_ =	sdelay $0x3  }
0x36: {  	p1 =	seq.s32 s10, $0x1;
	s10 =	sld [smem:$0x3FB7];
	_ =	sdelay $0x3  }
0x37: {  	[smem:$0x3FB7] =	sst s10  }
0x38: {  	s10 =	sld [smem:$0x3FB8]  }
0x39: {  	_ = 	snop;
	(pc) =	sbr.ind lr, $3  }
0x3a: {  	_ = 	snop  }
0x3b: {  	_ = 	snop  }
0x3c: {  	p2 =	seq.s32 s10, $0x1;
	s10 =	sld [smem:$0x3FB7]  }
0x3d: {  	_ =	shalt  }
0x3e: {  	_ =	shalt  }
0x3f: {  	_ =	shalt  }
0x40: {  	_ =	shalt  }
0x41: {  	_ =	shalt  }
0x42: {  	_ =	shalt  }
0x43: {  	_ =	shalt  }
0x44: {  	_ =	shalt  }
0x45: {  	_ =	shalt  }
0x46: {  	_ =	shalt  }
0x47: {  	_ =	shalt  }
0x48: {  	_ =	shalt  }
0x49: {  	_ =	shalt  }
0x4a: {  	_ =	shalt  }
0x4b: {  	_ =	shalt  }
0x4c: {  	_ =	shalt  }
0x4d: {  	_ =	shalt  }
0x4e: {  	_ =	shalt  }
0x4f: {  	_ =	shalt  }
0x50: {  	_ =	shalt  }
0x51: {  	_ =	shalt  }
0x52: {  	_ =	shalt  }
0x53: {  	_ =	shalt  }
0x54: {  	_ =	shalt  }
0x55: {  	_ =	shalt  }
0x56: {  	_ =	shalt  }
0x57: {  	_ =	shalt  }
0x58: {  	_ =	shalt  }
0x59: {  	_ =	shalt  }
0x5a: {  	_ =	shalt  }
0x5b: {  	_ =	shalt  }
0x5c: {  	_ =	shalt  }
0x5d: {  	_ =	shalt  }
0x5e: {  	_ =	shalt  }
0x5f: {  	_ =	shalt  }
0x60: {  	_ =	shalt  }
0x61: {  	_ =	shalt  }
0x62: {  	_ =	shalt  }
0x63: {  	_ =	shalt  }
0x64: {  	_ =	shalt  }
0x65: {  	_ =	shalt  }
0x66: {  	_ =	shalt  }
0x67: {  	_ =	shalt  }
0x68: {  	_ =	shalt  }
0x69: {  	_ =	shalt  }
0x6a: {  	_ =	shalt  }
0x6b: {  	_ =	shalt  }
0x6c: {  	_ =	shalt  }
0x6d: {  	_ =	shalt  }
0x6e: {  	_ =	shalt  }
0x6f: {  	_ =	shalt  }
0x70: {  	_ =	shalt  }
0x71: {  	_ =	shalt  }
0x72: {  	_ =	shalt  }
0x73: {  	_ =	shalt  }
0x74: {  	_ =	shalt  }
0x75: {  	_ =	shalt  }
0x76: {  	_ =	shalt  }
0x77: {  	_ =	shalt  }
0x78: {  	_ =	shalt  }
0x79: {  	_ =	shalt  }
0x7a: {  	_ =	shalt  }
0x7b: {  	_ =	shalt  }
0x7c: {  	_ =	shalt  }
0x7d: {  	_ =	shalt  }
0x7e: {  	_ =	shalt  }
0x7f: {  	_ =	shalt  }
0x80: {  	_ =	shalt  }
0x81: {  	_ =	shalt  }
0x82: {  	_ =	shalt  }
0x83: {  	_ =	shalt  }
0x84: {  	_ =	shalt  }
0x85: {  	_ =	shalt  }
0x86: {  	_ =	shalt  }
0x87: {  	_ =	shalt  }
.Lfunc_end0:
.L_simem_size_0:
called_computation_lowered:
.L_overlay_start_0:
0x88: {  	s0 =	sld [smem:$0x3FD9]  }
0x89: {  	s1 =	sld [smem:$0x3FFE];
	_ =	sdelay $0x3  }
0x8a: {  	s0 =	sadd.s32 s1, s0  }
0x8b: {  	[smem:$0x3FC3] =	sst s0  }
0x8c: {  	_ = 	snop  }
0x8d: {  	s0 =	sld [smem:$0x3FC7]  }
0x8e: {  	s16 =	sld [smem:$0x3FD0];
	(tm) =	ssettm $0x1  }
0x8f: {  	s2 =	sld [smem:$0x3FFB];
	_ =	sdelay $0x3  }
0x90: {  	_ =	strace s2  }
0x91: {  	s2 =	sld [smem:$0x3FFC];
	_ =	sdelay $0x3  }
0x92: {  	_ =	strace s2  }
0x93: {  	s2 =	sld [smem:$0x3FFD];
	_ =	sdelay $0x3  }
0x94: {  	_ =	strace s2  }
0x95: {  	_ =	strace $0x8FFFFFFF  }
0x96: {  	s17 =	sld [smem:$0x3FDB];
	_ =	sdelay $0x1  }
0x97: {  	s3 =	simm.s32 $_scs_section_size  }
0x98: {  	s4 =	simm.s32 $_size__tile_overlayer_lowered;
	s5 =	simm.s32 $_tile_overlayer_lowered  }
0x99: {  	s20 =	simm.s32 $0x1BFF;
	s19 =	sshll.u32 s5, $0x1;
	s2 =	sadd.s32 s3, s17  }
0x9a: {  	s6 =	simm.s32 $0x0;
	s18 =	sshll.u32 s4, $0x1;
	s4 =	sadd.s32 s19, s2  }
0x9b: {  	[timem:s6], [sflag:s20] =	dma.local [hbm:s4], s18  }
0x9c: {  	_ =	swait.ge [sflag:s20], s18  }
0x9d: {  	s3 =	ssub.s32 $0x0, s18;
	[sflag:s20] =	ssyncset.done $0x0  }
0x9e: {  	[sflag:s20] =	ssyncadd.s32 s3;
	_ =	sdelay $0x1  }
0x9f: {  	s21 =	simm.s32 $0x1B8B  }
0xa0: {  	_ =	swait.ge [sflag:s21], $0x1  }
0xa1: {  	[sflag:s21] =	ssyncset.done $0x0  }
0xa2: {  	s23 =	simm.s32 $0x1B8E;
	s22 =	sld [smem:$0x3FFE];
	[sflag:s21] =	ssyncadd.s32 $0xFFFFFFFF  }
0xa3: {  	s24 =	simm.s32 $execute0_lowered;
	[smem:$0x3FD2] =	sst s23  }
0xa4: {  	s4 =	sshll.u32 s24, $0x1;
	_ =	strace $0x80000046;
	[dreg:$0x1] =	wrdreg $0xFFFFFFFF  }
0xa5: {  	s25 =	simm.s32 $_size_execute0_lowered;
	s2 =	sadd.s32 s2, s4;
	[dreg:$0x0] =	wrdreg $0x0  }
0xa6: {  	s4 =	sshll.u32 s25, $0x1;
	[dreg:$0x2] =	wrdreg s2  }
0xa7: {  	[dreg:$0x3] =	wrdreg s4  }
0xa8: {  	[dreg:$0x4] =	wrdreg $0xC0  }
0xa9: {  	_ =	task [dreg:s6], $0x5FFFF  }
0xaa: {  	[dreg:$0x1] =	wrdreg $0xFFFFFFFF  }
0xab: {  	[dreg:$0x0] =	wrdreg $0x60  }
0xac: {  	[dreg:$0x2] =	wrdreg s22  }
0xad: {  	[dreg:$0x3] =	wrdreg s0  }
0xae: {  	[dreg:$0x4] =	wrdreg s16  }
0xaf: {  	[dreg:$0x5] =	wrdreg $0x196000  }
0xb0: {  	[dreg:$0x6] =	wrdreg $0x1BE000  }
0xb1: {  	[dreg:$0x7] =	wrdreg $0x9  }
0xb2: {  	_ =	task.clear_ibuf [dreg:s6], $0x8FFFF;
	_ =	strace $0x90000046  }
0xb3: {  	s26 =	simm.s32 $0x9;
	_ =	strace $0x80000048  }
0xb4: {  	_ =	swait.ge [sflag:s26], $0x1  }
0xb5: {  	[sflag:s26] =	ssyncadd.s32 $0xFFFFFFFF  }
0xb6: {  	_ =	strace $0x90000048  }
0xb7: {  	_ =	sfence  }
0xb8: {  	s28 =	sld [smem:$0x0];
	_ =	sdelay $0x1  }
0xb9: {  	s29 =	srdreg.scid  }
0xba: {  	s30 =	sshll.u32 s29, $0xD;
	s31 =	sshrl.u32 s29, $0x2  }
0xbb: {  	s1 =	sand.u32 $0x1, s29;
	s2 =	sand.u32 $0x4000, s30;
	s0 =	sadd.s32 s31, s28  }
0xbc: {  	s1 =	sor.u32 s2, s1;
	s0 =	sshll.u32 s0, $0x11  }
0xbd: {  	s0 =	sor.u32 s0, s1  }
0xbe: {  	s0 =	sadd.s32 $0x8F2B, s0  }
0xbf: {  	[sflag:s0] =	ssyncadd.remote.s32 $0x1  }
0xc0: {  	_ =	sfence.sel $0xFFFF  }
0xc1: {  	[dreg:$0x0] =	wrdreg $0xFFFFFFFF;
	(pc) =	sbr.abs _section_cstart, $3  }
0xc2: {  	[dreg:$0x1] =	wrdreg $0xFFFFFFFF  }
0xc3: {  	_ =	task.clear_ibuf [dreg:s6], $0x2FFFF;
	_ =	strace $0x9FFFFFFF  }
0xc4: {  	(tm) =	ssettm $0x7FFFFFFF  }
0xc5: {  	_ =	shalt  }
tec
execute0_lowered:
.L_overlay_start_1:
0x0: {  	(tag) =	ssettag $0x1  }
0x1: {  	s2 =	rddreg [dreg:$0x0];
	s9 =	stileid.u32  }
0x2: {  	s0 =	rddreg [dreg:$0x1];
	s1 =	smul.u32 $0x4E20, s9  }
0x3: {  	s3 =	rddreg [dreg:$0x2]  }
0x4: {  	s6 =	rddreg [dreg:$0x3];
	s4 =	simm.s32 $0x0;
	s1 =	sshrl.u32 s1, $0x3  }
0x5: {  	[smem:$0x7FF] =	sst s4;
	s5 =	sadd.s32 s1, s2  }
0x6: {  	s21 =	rddreg [dreg:$0x4];
	_ =	strace $0x80000047;
	s7 =	sadd.s32 $0xAA40, s5  }
0x7: {  	[tilespmem:s4], [sflag:$0x1] =	stream.linear.gather [hbm4b:s7+s4], $0x2710, $0x38;
	[tilespmem:$0x1C080] =	vst v63  }
0x8: {  	s23 =	simm.s32 $0x9D00;
	s0 =	sadd.s32 s0, s1  }
0x9: {  	[tilespmem:s23], [sflag:$0x1] =	stream.linear.gather [hbm4b:s0+s4], $0x2710, $0x38;
	[tilespmem:$0x1C080] =	vst v63  }
0xa: {  	s25 =	simm.s32 $0x2710;
	s24 =	sadd.s32 $0xAF22, s5  }
0xb: {  	[tilespmem:s25], [sflag:$0x1] =	stream.linear.gather [hbm4b:s24+s4], $0x2710, $0x38;
	[tilespmem:$0x1C080] =	vst v63  }
0xc: {  	s26 =	simm.s32 $0xC410;
	s0 =	sadd.s32 $0x4E2, s0  }
0xd: {  	[tilespmem:s26], [sflag:$0x1] =	stream.linear.gather [hbm4b:s0+s4], $0x2710, $0x38;
	[tilespmem:$0x1C080] =	vst v63  }
0xe: {  	s29 =	simm.s32 $0x4E80;
	s28 =	sadd.s32 $0xE00, s5  }
0xf: {  	[tilespmem:s29], [sflag:$0x1] =	stream.linear.gather [hbm4b:s28+s4], $0x4E20, $0x38;
	[tilespmem:$0x1C080] =	vst v63  }
0x10: {  	s31 =	simm.s32 $0x19580;
	s30 =	sadd.s32 $0x14E00, s2;
	s0 =	simm.s32 $0xEBC0  }
0x11: {  	v0 =	vimm.f32 $0.0e+00;
	[tilespmem:s31], [sflag:$0x1] =	stream.linear.gather [hbm4b:s30+s4], $0x80, $0x38;
	[tilespmem:$0x1C080] =	vst v63  }
0x12: {  	[tilespmem:s0+$0x30] =	vst v0  }
0x13: {  	[tilespmem:s0+$0xFFFFFFF0] =	vst v0  }
0x14: {  	[tilespmem:s0+$0xFFFFFFC0] =	vst v0  }
0x15: {  	[tilespmem:s0+$0xFFFFFFE0] =	vst v0  }
0x16: {  	[tilespmem:s0+$0x10] =	vst v0  }
0x17: {  	[tilespmem:s0+$0x20] =	vst v0  }
0x18: {  	[tilespmem:s0+$0x0] =	vst v0  }
0x19: {  	s1 =	simm.s32 $0x113C0;
	[tilespmem:s0+$0xFFFFFFD0] =	vst v0  }
0x1a: {  	[tilespmem:s1+$0xFFFFFFC0] =	vst v0  }
0x1b: {  	[tilespmem:s1+$0x30] =	vst v0  }
0x1c: {  	[tilespmem:s1+$0x20] =	vst v0  }
0x1d: {  	[tilespmem:s1+$0x10] =	vst v0  }
0x1e: {  	[tilespmem:s1+$0xFFFFFFE0] =	vst v0  }
0x1f: {  	[tilespmem:s1+$0x0] =	vst v0  }
0x20: {  	s7 =	sadd.s32 $0x14800, s2;
	s2 =	simm.s32 $0x0;
	[tilespmem:s1+$0xFFFFFFF0] =	vst v0  }
.LBB2_1:
0x21: {  	s2 =	sadd.s32 $0x80, s2;
	[tilespmem:s1+$0xFFFFFFD0] =	vst v0;
	s0 =	sadd.s32 $0x80, s0;
	s1 =	sadd.s32 $0x80, s1  }
0x22: {  	[tilespmem:s0+$0x30] =	vst v0;
	p0 =	slt.u32 s2, $0x2780  }
0x23: {  	[tilespmem:s0+$0xFFFFFFF0] =	vst v0  }
0x24: {  	[tilespmem:s0+$0xFFFFFFC0] =	vst v0  }
0x25: {  	[tilespmem:s1+$0xFFFFFFC0] =	vst v0  }
0x26: {  	[tilespmem:s1+$0x30] =	vst v0  }
0x27: {  	[tilespmem:s0+$0xFFFFFFE0] =	vst v0  }
0x28: {  	[tilespmem:s0+$0x10] =	vst v0  }
0x29: {  	[tilespmem:s0+$0x20] =	vst v0  }
0x2a: {  	[tilespmem:s1+$0x20] =	vst v0  }
0x2b: {  	[tilespmem:s1+$0x10] =	vst v0  }
.Ltmp0:
0x2c: {  	[tilespmem:s1+$0xFFFFFFE0] =	vst v0;
	(pc) =	sbr.rel @p0 .LBB2_1-.Ltmp0, $4  }
0x2d: {  	[tilespmem:s0+$0x0] =	vst v0  }
0x2e: {  	[tilespmem:s1+$0x0] =	vst v0  }
0x2f: {  	[tilespmem:s1+$0xFFFFFFF0] =	vst v0  }
0x30: {  	[tilespmem:s0+$0xFFFFFFD0] =	vst v0  }
0x31: {  	[tilespmem:s1+$0xFFFFFFD0] =	vst v0;
	s0 =	simm.s32 $0x1  }
0x32: {  	_ =	swait.ge [sflag:s0], $0x2710  }
0x33: {  	[sflag:s0] =	ssyncset.done $0x0  }
0x34: {  	[sflag:s0] =	ssyncadd.s32 $0xFFFFD8F0  }
0x35: {  	_ =	swait.ge [sflag:s0], $0x2710  }
0x36: {  	[sflag:s0] =	ssyncset.done $0x0  }
0x37: {  	s2 =	simm.s32 $0x40;
	[sflag:s0] =	ssyncadd.s32 $0xFFFFD8F0  }
0x38: {  	v61 =	vld [tilespmem:s2+$0x30]  }
0x39: {  	v1 =	vld [tilespmem:s2+$0xFFFFFFD0]  }
0x3a: {  	s0 =	simm.s32 $0x9D40;
	v2 =	vld [tilespmem:s2+$0xFFFFFFE0]  }
0x3b: {  	v3 =	vld [tilespmem:s0+$0x30]  }
0x3c: {  	v4 =	vld [tilespmem:s2+$0xFFFFFFF0]  }
0x3d: {  	v5 =	vld [tilespmem:s2+$0x0]  }
0x3e: {  	v6 =	vld [tilespmem:s2+$0x10]  }
0x3f: {  	v7 =	vld [tilespmem:s2+$0x20]  }
0x40: {  	v62 =	vld [tilespmem:s2+$0xFFFFFFC0]  }
0x41: {  	v63 =	vld [tilespmem:s0+$0xFFFFFFC0]  }
0x42: {  	v8 =	vld [tilespmem:s0+$0xFFFFFFD0]  }
0x43: {  	v9 =	vld [tilespmem:s0+$0xFFFFFFE0]  }
0x44: {  	v10 =	vld [tilespmem:s0+$0xFFFFFFF0]  }
0x45: {  	v11 =	vld [tilespmem:s0+$0x0]  }
0x46: {  	v12 =	vld [tilespmem:s0+$0x10]  }
0x47: {  	s1 =	simm.s32 $0xEB80;
	v13 =	vld [tilespmem:s0+$0x20]  }
0x48: {  	[tilespmem:v61+s1+$0x0] =	vst.idx.add.f32.msk $0xffff, v3  }
0x49: {  	[tilespmem:v62+s1+$0x0] =	vst.idx.add.f32.msk $0xffff, v63  }
0x4a: {  	[tilespmem:v1+s1+$0x0] =	vst.idx.add.f32.msk $0xffff, v8  }
0x4b: {  	[tilespmem:v2+s1+$0x0] =	vst.idx.add.f32.msk $0xffff, v9  }
0x4c: {  	[tilespmem:v4+s1+$0x0] =	vst.idx.add.f32.msk $0xffff, v10  }
0x4d: {  	[tilespmem:v5+s1+$0x0] =	vst.idx.add.f32.msk $0xffff, v11  }
0x4e: {  	[tilespmem:v6+s1+$0x0] =	vst.idx.add.f32.msk $0xffff, v12  }
0x4f: {  	s4 =	simm.s32 $0xC0;
	s2 =	simm.s32 $0x0;
	[tilespmem:v7+s1+$0x0] =	vst.idx.add.f32.msk $0xffff, v13  }
.LBB2_3:
0x50: {  	v0 =	vld [tilespmem:s4+$0x30];
	s2 =	sadd.s32 $0x80, s2  }
0x51: {  	v1 =	vld [tilespmem:s4+$0xFFFFFFD0];
	p0 =	slt.u32 s2, $0x2680  }
0x52: {  	s0 =	sadd.s32 $0x80, s0;
	v2 =	vld [tilespmem:s4+$0xFFFFFFE0]  }
0x53: {  	v3 =	vld [tilespmem:s0+$0x30]  }
0x54: {  	v4 =	vld [tilespmem:s4+$0xFFFFFFF0]  }
0x55: {  	v5 =	vld [tilespmem:s4+$0x0]  }
0x56: {  	v6 =	vld [tilespmem:s4+$0x10]  }
0x57: {  	v7 =	vld [tilespmem:s4+$0x20]  }
0x58: {  	[tilespmem:v0+s1+$0x0] =	vst.idx.add.f32.msk $0xffff, v3  }
0x59: {  	v0 =	vld [tilespmem:s4+$0xFFFFFFC0]  }
0x5a: {  	v3 =	vld [tilespmem:s0+$0xFFFFFFC0]  }
0x5b: {  	v8 =	vld [tilespmem:s0+$0xFFFFFFD0]  }
0x5c: {  	v9 =	vld [tilespmem:s0+$0xFFFFFFE0]  }
0x5d: {  	v10 =	vld [tilespmem:s0+$0xFFFFFFF0]  }
0x5e: {  	v11 =	vld [tilespmem:s0+$0x0]  }
0x5f: {  	v12 =	vld [tilespmem:s0+$0x10]  }
0x60: {  	v13 =	vld [tilespmem:s0+$0x20]  }
0x61: {  	[tilespmem:v0+s1+$0x0] =	vst.idx.add.f32.msk $0xffff, v3  }
0x62: {  	[tilespmem:v1+s1+$0x0] =	vst.idx.add.f32.msk $0xffff, v8  }
.Ltmp1:
0x63: {  	[tilespmem:v2+s1+$0x0] =	vst.idx.add.f32.msk $0xffff, v9;
	(pc) =	sbr.rel @p0 .LBB2_3-.Ltmp1, $4  }
0x64: {  	[tilespmem:v4+s1+$0x0] =	vst.idx.add.f32.msk $0xffff, v10  }
0x65: {  	[tilespmem:v5+s1+$0x0] =	vst.idx.add.f32.msk $0xffff, v11  }
0x66: {  	[tilespmem:v6+s1+$0x0] =	vst.idx.add.f32.msk $0xffff, v12  }
0x67: {  	s4 =	sadd.s32 $0x80, s4;
	[tilespmem:v7+s1+$0x0] =	vst.idx.add.f32.msk $0xffff, v13  }
0x68: {  	v0 =	vld [tilespmem:$0x2700];
	_ =	sdelay $0x2  }
0x69: {  	v1 =	vld [tilespmem:$0xC400];
	_ =	sdelay $0x3  }
0x6a: {  	s0 =	simm.s32 $0xEB80  }
0x6b: {  	s1 =	simm.s32 $0x1;
	[tilespmem:v0+s0+$0x0] =	vst.idx.add.f32.msk $0xffff, v1  }
0x6c: {  	_ =	swait.ge [sflag:s1], $0x2710  }
0x6d: {  	[sflag:s1] =	ssyncset.done $0x0  }
0x6e: {  	[sflag:s1] =	ssyncadd.s32 $0xFFFFD8F0  }
0x6f: {  	_ =	swait.ge [sflag:s1], $0x2710  }
0x70: {  	[sflag:s1] =	ssyncset.done $0x0  }
0x71: {  	s2 =	simm.s32 $0x2780;
	[sflag:s1] =	ssyncadd.s32 $0xFFFFD8F0  }
0x72: {  	v60 =	vld [tilespmem:s2+$0x0]  }
0x73: {  	v61 =	vld [tilespmem:s2+$0xFFFFFFA0]  }
0x74: {  	s1 =	simm.s32 $0xC480;
	v2 =	vld [tilespmem:s2+$0xFFFFFFB0]  }
0x75: {  	v3 =	vld [tilespmem:s1+$0x0]  }
0x76: {  	v4 =	vld [tilespmem:s2+$0xFFFFFFC0]  }
0x77: {  	v5 =	vld [tilespmem:s2+$0xFFFFFFD0]  }
0x78: {  	v6 =	vld [tilespmem:s2+$0xFFFFFFE0]  }
0x79: {  	v7 =	vld [tilespmem:s2+$0xFFFFFFF0]  }
0x7a: {  	v62 =	vld [tilespmem:s2+$0xFFFFFF90]  }
0x7b: {  	v63 =	vld [tilespmem:s1+$0xFFFFFF90]  }
0x7c: {  	v8 =	vld [tilespmem:s1+$0xFFFFFFA0]  }
0x7d: {  	v9 =	vld [tilespmem:s1+$0xFFFFFFB0]  }
0x7e: {  	v10 =	vld [tilespmem:s1+$0xFFFFFFC0]  }
0x7f: {  	v11 =	vld [tilespmem:s1+$0xFFFFFFD0]  }
0x80: {  	v12 =	vld [tilespmem:s1+$0xFFFFFFE0]  }
0x81: {  	v13 =	vld [tilespmem:s1+$0xFFFFFFF0]  }
0x82: {  	[tilespmem:v60+s0+$0x0] =	vst.idx.add.f32.msk $0xffff, v3  }
0x83: {  	[tilespmem:v62+s0+$0x0] =	vst.idx.add.f32.msk $0xffff, v63  }
0x84: {  	[tilespmem:v61+s0+$0x0] =	vst.idx.add.f32.msk $0xffff, v8  }
0x85: {  	[tilespmem:v2+s0+$0x0] =	vst.idx.add.f32.msk $0xffff, v9  }
0x86: {  	[tilespmem:v4+s0+$0x0] =	vst.idx.add.f32.msk $0xffff, v10  }
0x87: {  	[tilespmem:v5+s0+$0x0] =	vst.idx.add.f32.msk $0xffff, v11  }
0x88: {  	[tilespmem:v6+s0+$0x0] =	vst.idx.add.f32.msk $0xffff, v12  }
0x89: {  	s4 =	simm.s32 $0x2800;
	s2 =	simm.s32 $0x2710;
	[tilespmem:v7+s0+$0x0] =	vst.idx.add.f32.msk $0xffff, v13  }
.LBB2_5:
0x8a: {  	v0 =	vld [tilespmem:s4+$0x0];
	s2 =	sadd.s32 $0x80, s2  }
0x8b: {  	v1 =	vld [tilespmem:s4+$0xFFFFFFA0];
	p0 =	slt.u32 s2, $0x4D90  }
0x8c: {  	s1 =	sadd.s32 $0x80, s1;
	v2 =	vld [tilespmem:s4+$0xFFFFFFB0]  }
0x8d: {  	v3 =	vld [tilespmem:s1+$0x0]  }
0x8e: {  	v4 =	vld [tilespmem:s4+$0xFFFFFFC0]  }
0x8f: {  	v5 =	vld [tilespmem:s4+$0xFFFFFFD0]  }
0x90: {  	v6 =	vld [tilespmem:s4+$0xFFFFFFE0]  }
0x91: {  	v7 =	vld [tilespmem:s4+$0xFFFFFFF0]  }
0x92: {  	[tilespmem:v0+s0+$0x0] =	vst.idx.add.f32.msk $0xffff, v3  }
0x93: {  	v0 =	vld [tilespmem:s4+$0xFFFFFF90]  }
0x94: {  	v3 =	vld [tilespmem:s1+$0xFFFFFF90]  }
0x95: {  	v8 =	vld [tilespmem:s1+$0xFFFFFFA0]  }
0x96: {  	v9 =	vld [tilespmem:s1+$0xFFFFFFB0]  }
0x97: {  	v10 =	vld [tilespmem:s1+$0xFFFFFFC0]  }
0x98: {  	v11 =	vld [tilespmem:s1+$0xFFFFFFD0]  }
0x99: {  	v12 =	vld [tilespmem:s1+$0xFFFFFFE0]  }
0x9a: {  	v13 =	vld [tilespmem:s1+$0xFFFFFFF0]  }
0x9b: {  	[tilespmem:v0+s0+$0x0] =	vst.idx.add.f32.msk $0xffff, v3  }
0x9c: {  	[tilespmem:v1+s0+$0x0] =	vst.idx.add.f32.msk $0xffff, v8  }
.Ltmp2:
0x9d: {  	[tilespmem:v2+s0+$0x0] =	vst.idx.add.f32.msk $0xffff, v9;
	(pc) =	sbr.rel @p0 .LBB2_5-.Ltmp2, $4  }
0x9e: {  	[tilespmem:v4+s0+$0x0] =	vst.idx.add.f32.msk $0xffff, v10  }
0x9f: {  	[tilespmem:v5+s0+$0x0] =	vst.idx.add.f32.msk $0xffff, v11  }
0xa0: {  	[tilespmem:v6+s0+$0x0] =	vst.idx.add.f32.msk $0xffff, v12  }
0xa1: {  	s4 =	sadd.s32 $0x80, s4;
	[tilespmem:v7+s0+$0x0] =	vst.idx.add.f32.msk $0xffff, v13  }
0xa2: {  	v0 =	vld [tilespmem:$0x4E10];
	_ =	sdelay $0x1  }
0xa3: {  	s0 =	sshrl.u32 s9, $0x3  }
0xa4: {  	v1 =	vld [tilespmem:$0xEB10];
	s0 =	smul.u32 $0x50000, s0;
	_ =	sdelay $0x1  }
0xa5: {  	s1 =	sshll.u32 s9, $0x7;
	s0 =	sshrl.u32 s0, $0x2  }
0xa6: {  	s1 =	sand.u32 $0x380, s1;
	s0 =	sadd.s32 s0, s6  }
0xa7: {  	s2 =	simm.s32 $0xEB80;
	s18 =	simm.s32 $0x80;
	s4 =	sadd.s32 s1, s0  }
0xa8: {  	s19 =	simm.s32 $0x400;
	s20 =	simm.s32 $0x2;
	[smem:$0x7FA] =	sst s4;
	[tilespmem:v0+s2+$0x0] =	vst.idx.add.f32.msk $0xffff, v1  }
0xa9: {  	[spmem:s4] =	stream.strided.scatter [tilespmem:s2], [sflag:$0x2], $0x2800, s19, s18, $0x38;
	[tilespmem:$0x1C080] =	vst v63  }
0xaa: {  	p0 =	seq.s32 s9, $0xF;
	_ =	swait.ge [sflag:s20], $0x2800  }
0xab: {  	s0 =	sadd.s32 @p0 $0x4B0, s7;
	[sflag:s20] =	ssyncset.done $0x0  }
0xac: {  	s2 =	simm.s32 @p0 $0x0;
	s4 =	simm.s32 @p0 $0x18B80;
	[sflag:s20] =	ssyncadd.s32 $0xFFFFD800  }
0xad: {  	[tilespmem:s4], [sflag:$0x2] =	stream.linear.gather @p0 [hbm4b:s0+s2], $0x190, $0x38;
	[tilespmem:$0x1C080] =	vst v63  }
0xae: {  	s0 =	simm.s32 @p0 $0x2  }
0xaf: {  	_ =	swait.ge @p0 [sflag:s0], $0x190  }
0xb0: {  	[sflag:s0] =	ssyncset.done @p0 $0x0  }
0xb1: {  	v0 =	vimm.f32 @p0 $0.0e+00;
	[sflag:s0] =	ssyncadd.s32 @p0 $0xFFFFFE70  }
0xb2: {  	[tilespmem:$0x18D10] =	vst @p0 v0  }
0xb3: {  	[tilespmem:$0x18D20] =	vst @p0 v0  }
0xb4: {  	[tilespmem:$0x18D30] =	vst @p0 v0  }
0xb5: {  	[tilespmem:$0x18D40] =	vst @p0 v0  }
0xb6: {  	[tilespmem:$0x18D50] =	vst @p0 v0  }
0xb7: {  	[tilespmem:$0x18D60] =	vst @p0 v0  }
0xb8: {  	[tilespmem:$0x18D70] =	vst @p0 v0  }
0xb9: {  	[tilespmem:$0x18D80] =	vst @p0 v0  }
0xba: {  	[tilespmem:$0x18D90] =	vst @p0 v0  }
0xbb: {  	[tilespmem:$0x18DA0] =	vst @p0 v0  }
0xbc: {  	[tilespmem:$0x18DB0] =	vst @p0 v0  }
0xbd: {  	s2 =	smul.u32 $0x280, s9;
	[tilespmem:$0x18DC0] =	vst @p0 v0  }
0xbe: {  	[tilespmem:$0x18DD0] =	vst @p0 v0  }
0xbf: {  	s8 =	sshrl.u32 s2, $0x3;
	[tilespmem:$0x18DE0] =	vst @p0 v0  }
0xc0: {  	s5 =	simm.s32 @!p0 $0x18B80;
	s4 =	simm.s32 @!p0 $0x0;
	s0 =	sadd.s32 @!p0 s7, s8;
	[tilespmem:$0x18DF0] =	vst @p0 v0  }
0xc1: {  	[tilespmem:s5], [sflag:$0x2] =	stream.linear.gather @!p0 [hbm4b:s0+s4], $0x280, $0x38;
	[tilespmem:$0x1C080] =	vst v63  }
0xc2: {  	s0 =	simm.s32 @!p0 $0x2  }
0xc3: {  	s22 =	smul.u32 $0x5000, s9;
	_ =	swait.ge @!p0 [sflag:s0], $0x280  }
0xc4: {  	[sflag:s0] =	ssyncset.done @!p0 $0x0  }
0xc5: {  	s24 =	simm.s32 $0x1400;
	s4 =	sshrl.u32 s22, $0x2;
	[sflag:s0] =	ssyncadd.s32 @!p0 $0xFFFFFD80  }
0xc6: {  	s25 =	simm.s32 $0x14000;
	s23 =	sadd.s32 s4, s6;
	[bflag:$0x0] =	sbarrier.arrive $0xFFFF  }
0xc7: {  	s26 =	simm.s32 $0x16380;
	s28 =	simm.s32 $0x0;
	[smem:$0x7FB] =	sst s23  }
0xc8: {  	[tilespmem:s26], [sflag:$0x2] =	stream.strided.gather [spmem:s23], $0x2800, s25, s24, $0x38;
	[tilespmem:$0x1C080] =	vst v63  }
0xc9: {  	s9 =	simm.s32 $0x0;
	s0 =	sand.u32 $0x1C00, s28;
	_ =	swait.ge [sflag:s20], $0x2800  }
0xca: {  	s15 =	sand.u32 $0x40, s9;
	s29 =	sor.u32 $0x16380, s0;
	[sflag:s20] =	ssyncset.done $0x0  }
0xcb: {  	s30 =	sor.u32 s15, s29;
	[sflag:s20] =	ssyncadd.s32 $0xFFFFD800  }
0xcc: {  	v0 =	vld [tilespmem:s30+$0x0]  }
0xcd: {  	s10 =	sor.u32 $0x10, s15;
	v1 =	vld [tilespmem:s30+$0x80]  }
0xce: {  	s31 =	sor.u32 s10, s29;
	v2 =	vld [tilespmem:s30+$0x100]  }
0xcf: {  	v3 =	vld [tilespmem:s31+$0x0]  }
0xd0: {  	s11 =	sor.u32 $0x20, s15;
	v4 =	vld [tilespmem:s30+$0x180]  }
0xd1: {  	s13 =	sor.u32 s11, s29;
	v5 =	vld [tilespmem:s31+$0x80]  }
0xd2: {  	s12 =	sor.u32 $0x30, s15;
	v6 =	vld [tilespmem:s13+$0x0]  }
0xd3: {  	s17 =	sor.u32 s12, s29;
	v7 =	vld [tilespmem:s13+$0x80]  }
0xd4: {  	v8 =	vld [tilespmem:s17+$0x0]  }
0xd5: {  	v9 =	vld [tilespmem:s17+$0x80]  }
0xd6: {  	v10 =	vld [tilespmem:s31+$0x100];
	v0 =	vadd.f32 v1, v0  }
0xd7: {  	v1 =	vld [tilespmem:s30+$0x200]  }
0xd8: {  	v11 =	vld [tilespmem:s13+$0x100];
	v0 =	vadd.f32 v2, v0  }
0xd9: {  	v2 =	vld [tilespmem:s30+$0x280]  }
0xda: {  	v12 =	vld [tilespmem:s17+$0x100];
	v0 =	vadd.f32 v4, v0  }
0xdb: {  	v4 =	vld [tilespmem:s30+$0x300]  }
0xdc: {  	v13 =	vld [tilespmem:s31+$0x180];
	v0 =	vadd.f32 v1, v0  }
0xdd: {  	s18 =	sadd.s32 $0x17780, s0;
	v1 =	vld [tilespmem:s30+$0x380]  }
0xde: {  	s4 =	sor.u32 s15, s18;
	v14 =	vld [tilespmem:s13+$0x180];
	v0 =	vadd.f32 v2, v0  }
0xdf: {  	s16 =	sadd.s32 $0x17800, s0;
	v2 =	vld [tilespmem:s4+$0x0]  }
0xe0: {  	s6 =	sor.u32 s15, s16;
	v15 =	vld [tilespmem:s17+$0x180];
	v0 =	vadd.f32 v4, v0  }
0xe1: {  	s14 =	sadd.s32 $0x17880, s0;
	v4 =	vld [tilespmem:s6+$0x0]  }
0xe2: {  	s7 =	sor.u32 s15, s14;
	v16 =	vld [tilespmem:s31+$0x200];
	v0 =	vadd.f32 v1, v0  }
0xe3: {  	v1 =	vld [tilespmem:s7+$0x0];
	s7 =	sadd.s32 $0x17900, s0  }
0xe4: {  	v17 =	vld [tilespmem:s13+$0x200];
	s19 =	sor.u32 s15, s7;
	v0 =	vadd.f32 v2, v0  }
0xe5: {  	s6 =	sadd.s32 $0x17980, s0;
	v2 =	vld [tilespmem:s19+$0x0]  }
0xe6: {  	v18 =	vld [tilespmem:s17+$0x200];
	s20 =	sor.u32 s15, s6;
	v0 =	vadd.f32 v4, v0  }
0xe7: {  	s4 =	sadd.s32 $0x17A00, s0;
	v4 =	vld [tilespmem:s20+$0x0]  }
0xe8: {  	v19 =	vld [tilespmem:s31+$0x280];
	s22 =	sor.u32 s15, s4;
	v0 =	vadd.f32 v1, v0  }
0xe9: {  	s1 =	sadd.s32 $0x17A80, s0;
	v1 =	vld [tilespmem:s22+$0x0]  }
0xea: {  	v20 =	vld [tilespmem:s17+$0x280];
	s19 =	sor.u32 s15, s1;
	v0 =	vadd.f32 v2, v0  }
0xeb: {  	s0 =	sadd.s32 $0x17B00, s0;
	v2 =	vld [tilespmem:s19+$0x0]  }
0xec: {  	v21 =	vld [tilespmem:s13+$0x300];
	s15 =	sor.u32 s15, s0;
	v0 =	vadd.f32 v4, v0  }
0xed: {  	v4 =	vld [tilespmem:s15+$0x0]  }
0xee: {  	v22 =	vld [tilespmem:s17+$0x300];
	v0 =	vadd.f32 v1, v0  }
0xef: {  	v23 =	vld [tilespmem:s31+$0x380]  }
0xf0: {  	v24 =	vld [tilespmem:s13+$0x380];
	v0 =	vadd.f32 v2, v0  }
0xf1: {  	s23 =	sor.u32 s10, s18;
	v25 =	vld [tilespmem:s17+$0x380]  }
0xf2: {  	s24 =	sor.u32 s11, s18;
	v27 =	vld [tilespmem:s23+$0x0];
	v0 =	vadd.f32 v4, v0  }
0xf3: {  	s25 =	sor.u32 s12, s18;
	v28 =	vld [tilespmem:s24+$0x0]  }
0xf4: {  	s26 =	sor.u32 s10, s16;
	v29 =	vld [tilespmem:s25+$0x0];
	v0 =	vadd.f32 $1.000000000e+00, v0  }
0xf5: {  	s28 =	sor.u32 s11, s16;
	v30 =	vld [tilespmem:s26+$0x0]  }
0xf6: {  	s29 =	sor.u32 s12, s16;
	v31 =	vld [tilespmem:s28+$0x0];
	v1 =	vshra.s32 v0, $0x1;
	v0 =	vmul.f32 $5.000000000e-01, v0  }
0xf7: {  	v32 =	vld [tilespmem:s29+$0x0];
	s24 =	sor.u32 s10, s1;
	v1 =	vsub.s32 $0x5F3759DF, v1  }
0xf8: {  	s25 =	sor.u32 s11, s1;
	v44 =	vld [tilespmem:s24+$0x0];
	v26 =	vmul.f32 v1, v0  }
0xf9: {  	v45 =	vld [tilespmem:s25+$0x0];
	s30 =	sor.u32 s10, s14  }
0xfa: {  	v54 =	vld [tilespmem:s30+$0x0];
	s23 =	sor.u32 s11, s4;
	v26 =	vmul.f32 v1, v26  }
0xfb: {  	v42 =	vld [tilespmem:s23+$0x0];
	s18 =	sor.u32 s10, s6  }
0xfc: {  	v39 =	vld [tilespmem:s18+$0x0];
	s16 =	sor.u32 s10, s7;
	v26 =	vsub.f32 $1.500000000e+00, v26  }
0xfd: {  	s17 =	sor.u32 s11, s7;
	v36 =	vld [tilespmem:s16+$0x0]  }
0xfe: {  	s7 =	sor.u32 s12, s7;
	v37 =	vld [tilespmem:s17+$0x0];
	v1 =	vmul.f32 v1, v26  }
0xff: {  	s26 =	sor.u32 s10, s0;
	v38 =	vld [tilespmem:s7+$0x0]  }
0x100: {  	v6 =	vadd.f32 v7, v6;
	s1 =	sor.u32 s12, s1;
	v7 =	vld [tilespmem:s26+$0x0];
	v34 =	vmul.f32 v1, v0  }
0x101: {  	v3 =	vadd.f32 v5, v3;
	s29 =	sor.u32 s11, s0;
	s0 =	sor.u32 s12, s0;
	v5 =	vld [tilespmem:s1+$0x0]  }
0x102: {  	v8 =	vadd.f32 v9, v8;
	v9 =	vld [tilespmem:s0+$0x0];
	s20 =	sor.u32 s12, s6;
	v34 =	vmul.f32 v34, v1  }
0x103: {  	v6 =	vadd.f32 v11, v6;
	v55 =	vld [tilespmem:s20+$0x0]  }
0x104: {  	s22 =	sor.u32 s10, s4;
	v2 =	vld [tilespmem:s13+$0x280];
	v34 =	vsub.f32 $1.500000000e+00, v34  }
0x105: {  	v8 =	vadd.f32 v12, v8;
	v6 =	vadd.f32 v14, v6;
	s4 =	sor.u32 s12, s4;
	v41 =	vld [tilespmem:s22+$0x0]  }
0x106: {  	v43 =	vld [tilespmem:s4+$0x0];
	v1 =	vmul.f32 v34, v1  }
0x107: {  	v8 =	vadd.f32 v15, v8;
	v6 =	vadd.f32 v17, v6;
	s30 =	simm.s32 $0x200;
	v4 =	vld [tilespmem:s31+$0x300];
	s31 =	sor.u32 s11, s14  }
0x108: {  	s7 =	simm.s32 $0x40;
	s19 =	sor.u32 s11, s6;
	v33 =	vld [tilespmem:s31+$0x0];
	s31 =	sand.u32 $0x1C00, s30;
	v0 =	vmul.f32 v1, v0  }
0x109: {  	v8 =	vadd.f32 v18, v8;
	s18 =	sand.u32 $0x40, s7;
	v40 =	vld [tilespmem:s19+$0x0];
	s15 =	sor.u32 s12, s14;
	s6 =	sor.u32 $0x16380, s31;
	v2 =	vadd.f32 v2, v6  }
0x10a: {  	v35 =	vld [tilespmem:s15+$0x0];
	s19 =	sor.u32 s18, s6;
	v0 =	vmul.f32 v0, v1  }
0x10b: {  	v8 =	vadd.f32 v20, v8;
	s13 =	sor.u32 $0x10, s18;
	v11 =	vld [tilespmem:s19+$0x0];
	v2 =	vadd.f32 v21, v2  }
0x10c: {  	s20 =	sor.u32 s13, s6;
	v56 =	vld [tilespmem:s19+$0x80];
	v0 =	vsub.f32 $1.500000000e+00, v0  }
0x10d: {  	v8 =	vadd.f32 v22, v8;
	v57 =	vld [tilespmem:s20+$0x0];
	v2 =	vadd.f32 v24, v2  }
0x10e: {  	v58 =	vld [tilespmem:s19+$0x100];
	v0 =	vmul.f32 v0, v1;
	v1 =	vadd.f32 v10, v3  }
0x10f: {  	v8 =	vadd.f32 v25, v8;
	v6 =	vld [tilespmem:s20+$0x80];
	v2 =	vadd.f32 v28, v2  }
0x110: {  	v59 =	vld [tilespmem:s19+$0x200];
	v10 =	vadd.f32 v13, v1  }
0x111: {  	v8 =	vadd.f32 v29, v8;
	v60 =	vld [tilespmem:s19+$0x280];
	v2 =	vadd.f32 v31, v2  }
0x112: {  	v61 =	vld [tilespmem:s19+$0x300];
	v10 =	vadd.f32 v16, v10  }
0x113: {  	v8 =	vadd.f32 v32, v8;
	v62 =	vld [tilespmem:s19+$0x380];
	v2 =	vadd.f32 v33, v2  }
0x114: {  	v63 =	vld [tilespmem:s20+$0x100];
	v10 =	vadd.f32 v19, v10  }
0x115: {  	v8 =	vadd.f32 v35, v8;
	v20 =	vld [tilespmem:s20+$0x180];
	v2 =	vadd.f32 v37, v2  }
0x116: {  	v22 =	vld [tilespmem:s20+$0x200];
	v4 =	vadd.f32 v4, v10  }
0x117: {  	v8 =	vadd.f32 v38, v8;
	v2 =	vadd.f32 v40, v2;
	v10 =	vld [tilespmem:s19+$0x180]  }
0x118: {  	v11 =	vadd.f32 v56, v11;
	v3 =	vld [tilespmem:s29+$0x0];
	v4 =	vadd.f32 v23, v4  }
0x119: {  	s28 =	simm.s32 $0x18E00;
	s4 =	sadd.s32 $0x17800, s31;
	v8 =	vadd.f32 v55, v8;
	v12 =	vld [tilespmem:s20+$0x280];
	v2 =	vadd.f32 v42, v2  }
0x11a: {  	s17 =	simm.s32 $0x18B80;
	s16 =	sadd.s32 $0x17A80, s31;
	s23 =	sor.u32 s18, s4;
	v24 =	vld [tilespmem:s20+$0x300];
	v11 =	vadd.f32 v58, v11;
	v4 =	vadd.f32 v27, v4  }
0x11b: {  	s15 =	sor.u32 $0x20, s18;
	s5 =	sadd.s32 $0x17780, s31;
	v8 =	vadd.f32 v43, v8;
	v31 =	vld [tilespmem:s23+$0x0];
	v2 =	vadd.f32 v45, v2;
	s29 =	sor.u32 s18, s16  }
0x11c: {  	s1 =	sadd.s32 $0x17880, s31;
	s0 =	sadd.s32 $0x17900, s31;
	s14 =	sadd.s32 $0x17B00, s31;
	v40 =	vld [tilespmem:s29+$0x0];
	[tilespmem:s28+$0x0] =	vst v0;
	v10 =	vadd.f32 v10, v11;
	v4 =	vadd.f32 v30, v4  }
0x11d: {  	v5 =	vadd.f32 v5, v8;
	v1 =	vld [tilespmem:s17+$0x0];
	s17 =	sadd.s32 $0x17A00, s31;
	v2 =	vadd.f32 v3, v2;
	s19 =	sadd.s32 $0x17980, s31;
	s31 =	sor.u32 s15, s6  }
0x11e: {  	v3 =	vld [tilespmem:s31+$0x0];
	v10 =	vadd.f32 v59, v10;
	v4 =	vadd.f32 v54, v4  }
0x11f: {  	v5 =	vadd.f32 v9, v5;
	v8 =	vld [tilespmem:s31+$0x80]  }
0x120: {  	s22 =	sor.u32 s18, s5;
	v9 =	vld [tilespmem:s31+$0x100];
	v10 =	vadd.f32 v60, v10;
	v4 =	vadd.f32 v36, v4  }
0x121: {  	s24 =	sor.u32 s18, s1;
	s25 =	sor.u32 s18, s0;
	s30 =	sor.u32 s18, s14;
	v30 =	vld [tilespmem:s22+$0x0]  }
0x122: {  	s28 =	sor.u32 s18, s17;
	s26 =	sor.u32 s18, s19;
	v43 =	vld [tilespmem:s31+$0x180];
	s18 =	sor.u32 $0x30, s18;
	v10 =	vadd.f32 v61, v10;
	v4 =	vadd.f32 v39, v4  }
0x123: {  	v25 =	vld [tilespmem:s31+$0x200];
	s6 =	sor.u32 s18, s6  }
0x124: {  	v49 =	vld [tilespmem:s6+$0x0];
	v10 =	vadd.f32 v62, v10;
	v4 =	vadd.f32 v41, v4  }
0x125: {  	v11 =	vld [tilespmem:s24+$0x0]  }
0x126: {  	v51 =	vld [tilespmem:s6+$0x80];
	v10 =	vadd.f32 v30, v10;
	v4 =	vadd.f32 v44, v4  }
0x127: {  	v6 =	vadd.f32 v6, v57;
	v36 =	vld [tilespmem:s25+$0x0]  }
0x128: {  	v15 =	vld [tilespmem:s31+$0x280];
	v10 =	vadd.f32 v31, v10;
	v4 =	vadd.f32 v7, v4  }
0x129: {  	v6 =	vadd.f32 v63, v6;
	v2 =	vadd.f32 $1.000000000e+00, v2;
	v37 =	vld [tilespmem:s26+$0x0]  }
0x12a: {  	v53 =	vld [tilespmem:s6+$0x100];
	v10 =	vadd.f32 v11, v10;
	v4 =	vadd.f32 $1.000000000e+00, v4  }
0x12b: {  	v3 =	vadd.f32 v8, v3;
	v59 =	vadd.f32 v51, v49;
	v39 =	vld [tilespmem:s28+$0x0]  }
0x12c: {  	v54 =	vld [tilespmem:s6+$0x180];
	v10 =	vadd.f32 v36, v10;
	v42 =	vshra.s32 v4, $0x1;
	v4 =	vmul.f32 $5.000000000e-01, v4  }
0x12d: {  	v28 =	vld [tilespmem:s31+$0x300];
	v11 =	vshra.s32 v2, $0x1;
	v2 =	vmul.f32 $5.000000000e-01, v2;
	v14 =	vsub.s32 $0x5F3759DF, v42  }
0x12e: {  	v29 =	vld [tilespmem:s31+$0x380];
	v11 =	vsub.s32 $0x5F3759DF, v11;
	v10 =	vadd.f32 v37, v10;
	v45 =	vmul.f32 v14, v4  }
0x12f: {  	v3 =	vadd.f32 v9, v3;
	v9 =	vadd.f32 v53, v59;
	v41 =	vld [tilespmem:s30+$0x0];
	v46 =	vmul.f32 v11, v2  }
0x130: {  	v5 =	vadd.f32 $1.000000000e+00, v5;
	v56 =	vld [tilespmem:s6+$0x200];
	v10 =	vadd.f32 v39, v10;
	v48 =	vmul.f32 v14, v45  }
0x131: {  	v6 =	vadd.f32 v20, v6;
	v58 =	vld [tilespmem:s6+$0x280];
	v9 =	vadd.f32 v54, v9;
	v30 =	vmul.f32 v11, v46  }
0x132: {  	s29 =	sor.u32 s15, s0;
	v60 =	vld [tilespmem:s6+$0x300];
	v10 =	vadd.f32 v40, v10;
	v52 =	vsub.f32 $1.500000000e+00, v48  }
0x133: {  	s31 =	sand.u32 $0x380, s9;
	v53 =	vld [tilespmem:s29+$0x0];
	v44 =	vshra.s32 v5, $0x1;
	v5 =	vmul.f32 $5.000000000e-01, v5;
	v30 =	vsub.f32 $1.500000000e+00, v30  }
0x134: {  	s26 =	sor.u32 s15, s1;
	s25 =	sor.u32 s13, s1;
	s1 =	sor.u32 s18, s1;
	v61 =	vld [tilespmem:s6+$0x380];
	v47 =	vsub.s32 $0x5F3759DF, v44;
	v10 =	vadd.f32 v41, v10;
	v55 =	vmul.f32 v14, v52  }
0x135: {  	v51 =	vld [tilespmem:s1+$0x0];
	s6 =	sor.u32 s31, s11;
	s11 =	sor.u32 s18, s19;
	v9 =	vadd.f32 v56, v9;
	v50 =	vmul.f32 v47, v5;
	v11 =	vmul.f32 v11, v30  }
0x136: {  	v3 =	vadd.f32 v43, v3;
	s28 =	sor.u32 s13, s0;
	s0 =	sor.u32 s18, s0;
	v59 =	vld [tilespmem:s11+$0x0];
	v10 =	vadd.f32 $1.000000000e+00, v10;
	v8 =	vmul.f32 v55, v4  }
0x137: {  	s23 =	sor.u32 s13, s4;
	s24 =	sor.u32 s15, s4;
	s4 =	sor.u32 s18, s4;
	v54 =	vld [tilespmem:s0+$0x0];
	v9 =	vadd.f32 v58, v9;
	v31 =	vmul.f32 v47, v50;
	v63 =	vmul.f32 v11, v2  }
0x138: {  	s9 =	sor.u32 s31, s12;
	v44 =	vld [tilespmem:s4+$0x0];
	v37 =	vshra.s32 v10, $0x1;
	v10 =	vmul.f32 $5.000000000e-01, v10;
	v8 =	vmul.f32 v8, v55  }
0x139: {  	v58 =	vld [tilespmem:s9+$0x18B80];
	v57 =	vsub.f32 $1.500000000e+00, v31;
	v31 =	vmul.f32 v63, v11;
	v39 =	vsub.s32 $0x5F3759DF, v37  }
0x13a: {  	v6 =	vadd.f32 v22, v6;
	s4 =	sor.u32 s15, s19;
	v7 =	vld [tilespmem:s20+$0x380];
	v41 =	vmul.f32 v39, v10;
	v8 =	vsub.f32 $1.500000000e+00, v8  }
0x13b: {  	v3 =	vadd.f32 v25, v3;
	s20 =	sor.u32 s13, s5;
	v56 =	vld [tilespmem:s4+$0x0];
	v16 =	vmul.f32 v47, v57;
	v31 =	vsub.f32 $1.500000000e+00, v31  }
0x13c: {  	v6 =	vadd.f32 v12, v6;
	s22 =	sor.u32 s15, s5;
	s5 =	sor.u32 s18, s5;
	v62 =	vld [tilespmem:s20+$0x0];
	v45 =	vmul.f32 v39, v41;
	v8 =	vmul.f32 v8, v55  }
0x13d: {  	v3 =	vadd.f32 v15, v3;
	s30 =	sor.u32 s13, s19;
	s19 =	sor.u32 s15, s17;
	v38 =	vld [tilespmem:s5+$0x0];
	v43 =	vmul.f32 v16, v5;
	v11 =	vmul.f32 v31, v11  }
0x13e: {  	v9 =	vadd.f32 v60, v9;
	v60 =	vld [tilespmem:s19+$0x0];
	v49 =	vsub.f32 $1.500000000e+00, v45;
	v4 =	vmul.f32 v8, v4  }
0x13f: {  	v6 =	vadd.f32 v24, v6;
	v36 =	vld [tilespmem:s22+$0x0];
	v46 =	vmul.f32 v43, v16;
	v2 =	vmul.f32 v11, v2  }
0x140: {  	v3 =	vadd.f32 v28, v3;
	s5 =	sor.u32 s31, s10;
	v42 =	vld [tilespmem:s24+$0x0];
	v13 =	vmul.f32 v39, v49;
	v4 =	vmul.f32 v4, v8  }
0x141: {  	v9 =	vadd.f32 v61, v9;
	v57 =	vld [tilespmem:s5+$0x18B80];
	v50 =	vsub.f32 $1.500000000e+00, v46;
	v2 =	vmul.f32 v2, v11  }
0x142: {  	v6 =	vadd.f32 v7, v6;
	v40 =	vld [tilespmem:s23+$0x0];
	v7 =	vmul.f32 v13, v10;
	v4 =	vsub.f32 $1.500000000e+00, v4  }
0x143: {  	v3 =	vadd.f32 v29, v3;
	v48 =	vld [tilespmem:s26+$0x0];
	v14 =	vmul.f32 v50, v16;
	v2 =	vsub.f32 $1.500000000e+00, v2  }
0x144: {  	v7 =	vmul.f32 v7, v13;
	v4 =	vmul.f32 v4, v8;
	v8 =	vadd.f32 v38, v9;
	v9 =	vld [tilespmem:s6+$0x18B80]  }
0x145: {  	v0 =	vmul.f32 v0, v1;
	s24 =	sor.u32 s18, s16;
	v47 =	vld [tilespmem:s25+$0x0];
	v3 =	vadd.f32 v36, v3;
	v5 =	vmul.f32 v14, v5  }
0x146: {  	v1 =	vld [tilespmem:s24+$0x0];
	v6 =	vadd.f32 v62, v6;
	v2 =	vmul.f32 v2, v11;
	v7 =	vsub.f32 $1.500000000e+00, v7  }
0x147: {  	s20 =	sor.u32 s18, s17;
	v3 =	vadd.f32 v42, v3;
	v52 =	vld [tilespmem:s28+$0x0];
	v5 =	vmul.f32 v5, v14  }
0x148: {  	v62 =	vld [tilespmem:s20+$0x0];
	v6 =	vadd.f32 v40, v6;
	[tilespmem:s6+$0x18E00] =	vst v2;
	v61 =	vmul.f32 v4, v57;
	v7 =	vmul.f32 v7, v13  }
0x149: {  	s23 =	sor.u32 s15, s16;
	v3 =	vadd.f32 v48, v3;
	v55 =	vld [tilespmem:s30+$0x0];
	v8 =	vadd.f32 v44, v8;
	[tilespmem:s5+$0x18E00] =	vst v4;
	v9 =	vmul.f32 v2, v9  }
0x14a: {  	s12 =	sor.u32 s13, s17;
	v63 =	vld [tilespmem:s23+$0x0];
	v6 =	vadd.f32 v47, v6;
	v5 =	vsub.f32 $1.500000000e+00, v5;
	[tilespmem:s5+$0x19080] =	vst v61;
	v10 =	vmul.f32 v7, v10  }
0x14b: {  	s2 =	sadd.s32 s2, s21;
	s22 =	sor.u32 s13, s16;
	v3 =	vadd.f32 v53, v3;
	v11 =	vld [tilespmem:s12+$0x0];
	v4 =	vadd.f32 v51, v8;
	[tilespmem:s6+$0x19080] =	vst v9  }
0x14c: {  	s26 =	sadd.s32 s3, s8;
	v6 =	vadd.f32 v52, v6;
	v5 =	vmul.f32 v5, v14;
	v8 =	vld [tilespmem:s22+$0x0];
	v10 =	vmul.f32 v10, v7;
	[smem:$0x7FC] =	sst s2  }
0x14d: {  	s10 =	simm.s32 $0x19080;
	v3 =	vadd.f32 v56, v3;
	v4 =	vadd.f32 v54, v4;
	[dreg:$0x1f] =	wrdreg s26  }
0x14e: {  	s29 =	sadd.s32 $0x4B0, s3;
	s25 =	sor.u32 s13, s14;
	v6 =	vadd.f32 v55, v6;
	v9 =	vmul.f32 v5, v58;
	v10 =	vsub.f32 $1.500000000e+00, v10;
	[tilespmem:s10+$0x0] =	vst v0  }
0x14f: {  	s28 =	sor.u32 s15, s14;
	v2 =	vld [tilespmem:s25+$0x0];
	v0 =	vadd.f32 v59, v4;
	[smem:$0x7FD] =	sst s29  }
0x150: {  	s31 =	sor.u32 s18, s14;
	s30 =	sand.u32 $0x380, s7;
	v4 =	vld [tilespmem:s28+$0x0];
	[tilespmem:s9+$0x19080] =	vst v9;
	v9 =	vadd.f32 v11, v6;
	v11 =	vadd.f32 v60, v3;
	v3 =	vmul.f32 v10, v7  }
0x151: {  	s14 =	simm.s32 $0x18E40;
	s11 =	sor.u32 s30, s13;
	s8 =	sor.u32 s30, s15;
	[tilespmem:s9+$0x18E00] =	vst v5;
	v6 =	vadd.f32 v62, v0;
	v5 =	vld [tilespmem:s31+$0x0]  }
0x152: {  	s15 =	simm.s32 $0x400;
	s13 =	simm.s32 $0x18BC0;
	s12 =	sor.u32 s30, s18;
	v0 =	vld [tilespmem:s11+$0x18B80];
	v7 =	vadd.f32 v8, v9;
	[tilespmem:s14+$0x0] =	vst v3;
	v8 =	vadd.f32 v63, v11  }
.LBB2_7:
0x153: {  	s7 =	sadd.s32 $0x40, s7;
	s23 =	sand.u32 $0x1C00, s15  }
0x154: {  	s22 =	sand.u32 $0x40, s7;
	s1 =	sor.u32 $0x16380, s23  }
0x155: {  	v9 =	vld [tilespmem:s13+$0x0];
	s0 =	sor.u32 s22, s1  }
0x156: {  	v11 =	vld [tilespmem:s0+$0x100]  }
0x157: {  	v6 =	vadd.f32 v1, v6;
	v7 =	vadd.f32 v2, v7;
	v1 =	vld [tilespmem:s8+$0x18B80]  }
0x158: {  	v4 =	vadd.f32 v4, v8;
	v8 =	vld [tilespmem:s0+$0x0]  }
0x159: {  	s25 =	sor.u32 $0x10, s22;
	v7 =	vadd.f32 $1.000000000e+00, v7;
	v5 =	vadd.f32 v5, v6;
	v6 =	vld [tilespmem:s0+$0x80]  }
0x15a: {  	s18 =	sor.u32 s25, s1;
	v2 =	vld [tilespmem:s12+$0x18B80];
	v3 =	vmul.f32 v3, v9;
	v4 =	vadd.f32 $1.000000000e+00, v4  }
0x15b: {  	s10 =	sadd.s32 $0x40, s10;
	v10 =	vld [tilespmem:s18+$0x0];
	v9 =	vshra.s32 v7, $0x1;
	v5 =	vadd.f32 $1.000000000e+00, v5;
	v7 =	vmul.f32 $5.000000000e-01, v7  }
0x15c: {  	v13 =	vld [tilespmem:s18+$0x80];
	[tilespmem:s10+$0x0] =	vst v3;
	v12 =	vshra.s32 v4, $0x1;
	v4 =	vmul.f32 $5.000000000e-01, v4;
	v3 =	vsub.s32 $0x5F3759DF, v9  }
0x15d: {  	s24 =	sor.u32 $0x20, s22;
	v14 =	vld [tilespmem:s0+$0x180];
	v12 =	vsub.s32 $0x5F3759DF, v12;
	v9 =	vshra.s32 v5, $0x1;
	v15 =	vmul.f32 v3, v7  }
0x15e: {  	s16 =	sor.u32 s24, s1;
	v18 =	vld [tilespmem:s0+$0x200];
	v5 =	vmul.f32 $5.000000000e-01, v5;
	v16 =	vmul.f32 v12, v4;
	v6 =	vadd.f32 v6, v8  }
0x15f: {  	v9 =	vsub.s32 $0x5F3759DF, v9;
	v8 =	vld [tilespmem:s16+$0x0];
	v15 =	vmul.f32 v3, v15  }
0x160: {  	s26 =	sor.u32 $0x30, s22;
	v17 =	vmul.f32 v9, v5;
	v16 =	vmul.f32 v12, v16;
	v6 =	vadd.f32 v11, v6;
	v11 =	vld [tilespmem:s16+$0x80]  }
0x161: {  	s17 =	sor.u32 s26, s1;
	v19 =	vld [tilespmem:s0+$0x280];
	v42 =	vsub.f32 $1.500000000e+00, v15  }
0x162: {  	v43 =	vld [tilespmem:s17+$0x0];
	v17 =	vmul.f32 v9, v17;
	v44 =	vsub.f32 $1.500000000e+00, v16;
	v6 =	vadd.f32 v14, v6  }
0x163: {  	v45 =	vld [tilespmem:s0+$0x300];
	v3 =	vmul.f32 v3, v42  }
0x164: {  	v47 =	vld [tilespmem:s17+$0x80];
	v46 =	vsub.f32 $1.500000000e+00, v17;
	v12 =	vmul.f32 v12, v44;
	v6 =	vadd.f32 v18, v6  }
0x165: {  	s5 =	sadd.s32 $0x17780, s23;
	v48 =	vld [tilespmem:s0+$0x380];
	v8 =	vadd.f32 v11, v8;
	v11 =	vmul.f32 v3, v7  }
0x166: {  	s20 =	sadd.s32 $0x17800, s23;
	s6 =	sor.u32 s22, s5;
	v49 =	vld [tilespmem:s18+$0x100];
	v9 =	vmul.f32 v9, v46;
	v50 =	vmul.f32 v12, v4;
	v6 =	vadd.f32 v19, v6  }
0x167: {  	s2 =	sand.u32 $0x380, s7;
	s30 =	sadd.s32 $0x17880, s23;
	s21 =	sor.u32 s22, s20;
	v51 =	vld [tilespmem:s6+$0x0];
	v11 =	vmul.f32 v11, v3  }
0x168: {  	s3 =	sor.u32 s2, s25;
	s31 =	sor.u32 s2, s24;
	s4 =	sor.u32 s2, s26;
	v52 =	vld [tilespmem:s16+$0x100];
	v20 =	vmul.f32 v9, v5;
	v18 =	vmul.f32 v50, v12;
	v6 =	vadd.f32 v45, v6  }
0x169: {  	s9 =	sor.u32 s25, s5;
	s19 =	sor.u32 s24, s5;
	[dreg:$0x9] =	wrdreg s3;
	v21 =	vld [tilespmem:s21+$0x0];
	v11 =	vsub.f32 $1.500000000e+00, v11  }
0x16a: {  	s28 =	sor.u32 s25, s20;
	[dreg:$0x7] =	wrdreg s4;
	s3 =	sor.u32 s22, s30;
	v54 =	vld [tilespmem:s17+$0x100];
	v53 =	vmul.f32 v20, v9;
	v18 =	vsub.f32 $1.500000000e+00, v18;
	v6 =	vadd.f32 v48, v6  }
0x16b: {  	[dreg:$0x1a] =	wrdreg s9;
	s0 =	sor.u32 s26, s5;
	v55 =	vld [tilespmem:s3+$0x0];
	s5 =	sadd.s32 $0x17900, s23;
	v3 =	vmul.f32 v11, v3  }
0x16c: {  	s29 =	sor.u32 s24, s20;
	[dreg:$0x1c] =	wrdreg s28;
	v56 =	vld [tilespmem:s18+$0x180];
	s6 =	sor.u32 s22, s5;
	v11 =	vsub.f32 $1.500000000e+00, v53;
	v12 =	vmul.f32 v18, v12;
	v6 =	vadd.f32 v51, v6  }
0x16d: {  	s1 =	sor.u32 s26, s20;
	[dreg:$0x1b] =	wrdreg s29;
	s9 =	sadd.s32 $0x17980, s23;
	v57 =	vld [tilespmem:s6+$0x0];
	v7 =	vmul.f32 v3, v7  }
0x16e: {  	[dreg:$0x1d] =	wrdreg s1;
	s4 =	sor.u32 s24, s30;
	v59 =	vld [tilespmem:s17+$0x180];
	s2 =	sor.u32 s22, s9;
	v9 =	vmul.f32 v11, v9;
	v4 =	vmul.f32 v12, v4;
	v6 =	vadd.f32 v21, v6  }
0x16f: {  	[dreg:$0x1e] =	wrdreg s4;
	v58 =	vld [tilespmem:s2+$0x0];
	s3 =	sadd.s32 $0x17A00, s23;
	s21 =	sor.u32 s25, s5;
	v7 =	vmul.f32 v7, v3  }
0x170: {  	s29 =	sor.u32 s24, s5;
	s28 =	sor.u32 s26, s5;
	s5 =	sor.u32 s22, s3;
	v11 =	vld [tilespmem:s16+$0x180];
	v5 =	vmul.f32 v9, v5;
	v4 =	vmul.f32 v4, v12;
	v6 =	vadd.f32 v55, v6  }
0x171: {  	[dreg:$0x19] =	wrdreg s0;
	s0 =	sadd.s32 $0x17A80, s23;
	v60 =	vld [tilespmem:s5+$0x0];
	v7 =	vsub.f32 $1.500000000e+00, v7  }
0x172: {  	v61 =	vld [tilespmem:s18+$0x200];
	s4 =	sor.u32 s25, s3;
	s6 =	sor.u32 s24, s3;
	s1 =	sor.u32 s22, s0;
	v5 =	vmul.f32 v5, v9;
	v4 =	vsub.f32 $1.500000000e+00, v4;
	v6 =	vadd.f32 v57, v6  }
0x173: {  	v10 =	vadd.f32 v13, v10;
	s5 =	sor.u32 s26, s3;
	s2 =	sor.u32 s25, s0;
	v62 =	vld [tilespmem:s1+$0x0];
	s1 =	sadd.s32 $0x17B00, s23;
	v8 =	vadd.f32 v52, v8;
	v3 =	vmul.f32 v7, v3  }
0x174: {  	s3 =	sor.u32 s24, s0;
	s23 =	sor.u32 s26, s0;
	s0 =	sor.u32 s22, s1;
	v5 =	vsub.f32 $1.500000000e+00, v5;
	v7 =	vld [tilespmem:s16+$0x200];
	v4 =	vmul.f32 v4, v12;
	v6 =	vadd.f32 v58, v6  }
0x175: {  	v10 =	vadd.f32 v49, v10;
	v8 =	vadd.f32 v11, v8;
	v11 =	vld [tilespmem:s0+$0x0];
	[tilespmem:s11+$0x18E00] =	vst v3;
	v0 =	vmul.f32 v3, v0  }
0x176: {  	v3 =	vmul.f32 v5, v9;
	[tilespmem:s8+$0x18E00] =	vst v4;
	v1 =	vmul.f32 v4, v1;
	v5 =	vadd.f32 v60, v6;
	v6 =	vld [tilespmem:s17+$0x200]  }
0x177: {  	v14 =	vadd.f32 v47, v43;
	v9 =	vld [tilespmem:s18+$0x280];
	[tilespmem:s11+$0x19080] =	vst v0  }
0x178: {  	v10 =	vadd.f32 v56, v10;
	v0 =	vmul.f32 v3, v2;
	v2 =	vadd.f32 v62, v5;
	v5 =	vld [tilespmem:s16+$0x280];
	[tilespmem:s8+$0x19080] =	vst v1  }
0x179: {  	[dreg:$0x8] =	wrdreg s31;
	v14 =	vadd.f32 v54, v14;
	v1 =	vadd.f32 v7, v8;
	v7 =	vld [tilespmem:s17+$0x280];
	[tilespmem:s12+$0x18E00] =	vst v3  }
0x17a: {  	[dreg:$0x18] =	wrdreg s19;
	s31 =	sor.u32 s25, s30;
	[tilespmem:s12+$0x19080] =	vst v0;
	v3 =	vld [tilespmem:s16+$0x300];
	v0 =	vadd.f32 v11, v2  }
0x17b: {  	s19 =	sor.u32 s25, s9;
	s20 =	sor.u32 s24, s9;
	s25 =	sor.u32 s25, s1;
	v63 =	vadd.f32 v59, v14;
	v4 =	vadd.f32 v61, v10;
	v2 =	vld [tilespmem:s18+$0x300]  }
0x17c: {  	s22 =	sor.u32 s24, s1;
	s24 =	sor.u32 s26, s1;
	s1 =	rddreg [dreg:$0x9];
	v10 =	vld [tilespmem:s16+$0x380];
	v0 =	vadd.f32 $1.000000000e+00, v0  }
0x17d: {  	s30 =	sor.u32 s26, s30;
	s9 =	sor.u32 s26, s9;
	s26 =	rddreg [dreg:$0x8];
	v6 =	vadd.f32 v6, v63;
	v4 =	vadd.f32 v9, v4;
	v9 =	vld [tilespmem:s18+$0x380]  }
0x17e: {  	s8 =	smov.u32 s26;
	s26 =	rddreg [dreg:$0x1a];
	v8 =	vld [tilespmem:s17+$0x300];
	v1 =	vadd.f32 v5, v1;
	v5 =	vshra.s32 v0, $0x1;
	v0 =	vmul.f32 $5.000000000e-01, v0  }
0x17f: {  	s11 =	smov.u32 s1;
	s1 =	rddreg [dreg:$0x7];
	v11 =	vld [tilespmem:s26+$0x0];
	v5 =	vsub.s32 $0x5F3759DF, v5  }
0x180: {  	s12 =	smov.u32 s1;
	s1 =	rddreg [dreg:$0x18];
	v6 =	vadd.f32 v7, v6;
	v2 =	vadd.f32 v2, v4;
	v4 =	vld [tilespmem:s17+$0x380];
	v7 =	vmul.f32 v5, v0  }
0x181: {  	v1 =	vadd.f32 v3, v1;
	v3 =	vld [tilespmem:s1+$0x0];
	s17 =	rddreg [dreg:$0x1c]  }
0x182: {  	s16 =	rddreg [dreg:$0x19];
	v2 =	vadd.f32 v9, v2;
	v9 =	vld [tilespmem:s17+$0x0];
	v7 =	vmul.f32 v5, v7  }
0x183: {  	s18 =	rddreg [dreg:$0x1b];
	v6 =	vadd.f32 v8, v6;
	v8 =	vld [tilespmem:s16+$0x0]  }
0x184: {  	s26 =	rddreg [dreg:$0x1d];
	v1 =	vadd.f32 v10, v1;
	v10 =	vld [tilespmem:s18+$0x0];
	v7 =	vsub.f32 $1.500000000e+00, v7  }
0x185: {  	v2 =	vadd.f32 v11, v2;
	v4 =	vadd.f32 v4, v6;
	v6 =	vld [tilespmem:s26+$0x0]  }
0x186: {  	v5 =	vmul.f32 v5, v7;
	v7 =	vld [tilespmem:s31+$0x0]  }
0x187: {  	v2 =	vadd.f32 v9, v2;
	v9 =	vld [tilespmem:s30+$0x0]  }
0x188: {  	v11 =	vld [tilespmem:s21+$0x0];
	v1 =	vadd.f32 v3, v1;
	s31 =	rddreg [dreg:$0x1e];
	v4 =	vadd.f32 v8, v4;
	v8 =	vmul.f32 v5, v0  }
0x189: {  	v3 =	vld [tilespmem:s31+$0x0]  }
0x18a: {  	v1 =	vadd.f32 v10, v1;
	v10 =	vld [tilespmem:s29+$0x0];
	v4 =	vadd.f32 v6, v4;
	v8 =	vmul.f32 v8, v5  }
0x18b: {  	v6 =	vld [tilespmem:s28+$0x0];
	v2 =	vadd.f32 v7, v2  }
0x18c: {  	v4 =	vadd.f32 v9, v4;
	v9 =	vld [tilespmem:s4+$0x0];
	v7 =	vsub.f32 $1.500000000e+00, v8  }
0x18d: {  	v8 =	vld [tilespmem:s19+$0x0]  }
0x18e: {  	v1 =	vadd.f32 v3, v1;
	v3 =	vld [tilespmem:s20+$0x0];
	v5 =	vmul.f32 v7, v5  }
0x18f: {  	v2 =	vadd.f32 v11, v2;
	v11 =	vld [tilespmem:s3+$0x0]  }
0x190: {  	v7 =	vld [tilespmem:s9+$0x0];
	v0 =	vmul.f32 v5, v0  }
0x191: {  	v1 =	vadd.f32 v10, v1;
	v10 =	vld [tilespmem:s6+$0x0]  }
0x192: {  	v4 =	vadd.f32 v6, v4;
	v6 =	vld [tilespmem:s5+$0x0];
	v0 =	vmul.f32 v0, v5  }
0x193: {  	p1 =	slt.u32 s7, $0x240;
	v2 =	vadd.f32 v8, v2;
	v8 =	vld [tilespmem:s2+$0x0]  }
.Ltmp3:
0x194: {  	v3 =	vadd.f32 v3, v1;
	v1 =	vld [tilespmem:s23+$0x0];
	v0 =	vsub.f32 $1.500000000e+00, v0;
	(pc) =	sbr.rel @p1 .LBB2_7-.Ltmp3, $4  }
0x195: {  	v7 =	vadd.f32 v7, v4;
	v9 =	vadd.f32 v9, v2;
	v2 =	vld [tilespmem:s25+$0x0]  }
0x196: {  	v10 =	vadd.f32 v10, v3;
	v4 =	vld [tilespmem:s22+$0x0];
	v3 =	vmul.f32 v0, v5  }
0x197: {  	s14 =	sadd.s32 $0x40, s14;
	v6 =	vadd.f32 v6, v7;
	v5 =	vld [tilespmem:s24+$0x0]  }
0x198: {  	s15 =	sadd.s32 $0x200, s15;
	s13 =	sadd.s32 $0x40, s13;
	v7 =	vadd.f32 v8, v9;
	v0 =	vld [tilespmem:s11+$0x18B80];
	v8 =	vadd.f32 v11, v10;
	[tilespmem:s14+$0x0] =	vst v3  }
0x199: {  	_ = 	snop  }
0x19a: {  	v1 =	vadd.f32 v1, v6;
	v2 =	vadd.f32 v2, v7  }
0x19b: {  	v4 =	vadd.f32 v4, v8  }
0x19c: {  	v1 =	vadd.f32 v5, v1;
	v2 =	vadd.f32 $1.000000000e+00, v2  }
0x19d: {  	v4 =	vadd.f32 $1.000000000e+00, v4  }
0x19e: {  	v1 =	vadd.f32 $1.000000000e+00, v1;
	v38 =	vshra.s32 v2, $0x1;
	v2 =	vmul.f32 $5.000000000e-01, v2  }
0x19f: {  	v39 =	vshra.s32 v4, $0x1;
	v4 =	vmul.f32 $5.000000000e-01, v4;
	v5 =	vsub.s32 $0x5F3759DF, v38  }
0x1a0: {  	v41 =	vmul.f32 v5, v2;
	v6 =	vsub.s32 $0x5F3759DF, v39  }
0x1a1: {  	v40 =	vshra.s32 v1, $0x1;
	v1 =	vmul.f32 $5.000000000e-01, v1;
	v9 =	vmul.f32 v6, v4  }
0x1a2: {  	v7 =	vsub.s32 $0x5F3759DF, v40;
	v8 =	vmul.f32 v5, v41  }
0x1a3: {  	v10 =	vmul.f32 v7, v1;
	v9 =	vmul.f32 v6, v9  }
0x1a4: {  	v8 =	vsub.f32 $1.500000000e+00, v8  }
0x1a5: {  	v10 =	vmul.f32 v7, v10;
	v9 =	vsub.f32 $1.500000000e+00, v9  }
0x1a6: {  	v5 =	vmul.f32 v5, v8  }
0x1a7: {  	v42 =	vsub.f32 $1.500000000e+00, v10;
	v6 =	vmul.f32 v6, v9  }
0x1a8: {  	v43 =	vmul.f32 v5, v2  }
0x1a9: {  	v7 =	vmul.f32 v7, v42;
	v44 =	vmul.f32 v6, v4  }
0x1aa: {  	v9 =	vmul.f32 v43, v5  }
0x1ab: {  	v45 =	vmul.f32 v7, v1;
	v8 =	vmul.f32 v44, v6  }
0x1ac: {  	v9 =	vsub.f32 $1.500000000e+00, v9  }
0x1ad: {  	v10 =	vmul.f32 v45, v7;
	v8 =	vsub.f32 $1.500000000e+00, v8  }
0x1ae: {  	v5 =	vmul.f32 v9, v5  }
0x1af: {  	v46 =	vsub.f32 $1.500000000e+00, v10;
	v6 =	vmul.f32 v8, v6  }
0x1b0: {  	v47 =	vld [tilespmem:s13+$0x0];
	v2 =	vmul.f32 v5, v2  }
0x1b1: {  	v7 =	vmul.f32 v46, v7;
	v4 =	vmul.f32 v6, v4  }
0x1b2: {  	v2 =	vmul.f32 v2, v5  }
0x1b3: {  	v1 =	vmul.f32 v7, v1;
	v4 =	vmul.f32 v4, v6  }
0x1b4: {  	v2 =	vsub.f32 $1.500000000e+00, v2  }
0x1b5: {  	v48 =	vld [tilespmem:s8+$0x18B80];
	v3 =	vmul.f32 v3, v47;
	v1 =	vmul.f32 v1, v7;
	v4 =	vsub.f32 $1.500000000e+00, v4  }
0x1b6: {  	v49 =	vld [tilespmem:s12+$0x18B80];
	s0 =	sadd.s32 $0x40, s10;
	v2 =	vmul.f32 v2, v5  }
0x1b7: {  	[tilespmem:s0+$0x0] =	vst v3;
	v1 =	vsub.f32 $1.500000000e+00, v1;
	v3 =	vmul.f32 v4, v6  }
0x1b8: {  	[tilespmem:s11+$0x18E00] =	vst v2;
	v0 =	vmul.f32 v2, v0  }
0x1b9: {  	v1 =	vmul.f32 v1, v7;
	[tilespmem:s8+$0x18E00] =	vst v3  }
0x1ba: {  	v2 =	vmul.f32 v3, v48;
	[tilespmem:s11+$0x19080] =	vst v0  }
0x1bb: {  	v0 =	vmul.f32 v1, v49;
	[tilespmem:s12+$0x18E00] =	vst v1  }
0x1bc: {  	[tilespmem:s8+$0x19080] =	vst v2  }
0x1bd: {  	[tilespmem:s12+$0x19080] =	vst v0  }
0x1be: {  	s1 =	sld [smem:$0x7FC];
	_ =	sdelay $0x1  }
0x1bf: {  	s29 =	simm.s32 $0x19080;
	s30 =	simm.s32 $0x2  }
0x1c0: {  	[spmem:s1] =	stream.linear.scatter [tilespmem:s29], [sflag:$0x2], $0x280, $0x38;
	[tilespmem:$0x1C080] =	vst v63  }
0x1c1: {  	_ =	swait.ge [sflag:s30], $0x280  }
0x1c2: {  	[sflag:s30] =	ssyncset.done $0x0  }
0x1c3: {  	s31 =	simm.s32 $0x1;
	[sflag:s30] =	ssyncadd.s32 $0xFFFFFD80  }
0x1c4: {  	_ =	swait.ge [sflag:s31], $0x4E20  }
0x1c5: {  	[sflag:s31] =	ssyncset.done $0x0  }
0x1c6: {  	[sflag:s31] =	ssyncadd.s32 $0xFFFFB1E0  }
0x1c7: {  	[bflag:$0x0] =	sbarrier.arrive $0xFFFF  }
0x1c8: {  	s0 =	simm.s32 $0x13B80;
	s2 =	rddreg [dreg:$0x4]  }
0x1c9: {  	[tilespmem:s0], [sflag:$0x2] =	stream.linear.gather [spmem:s2], $0x2800, $0x38;
	[tilespmem:$0x1C080] =	vst v63  }
0x1ca: {  	_ =	swait.ge [sflag:s30], $0x2800  }
0x1cb: {  	[sflag:s30] =	ssyncset.done $0x0  }
0x1cc: {  	s3 =	simm.s32 $0x4EC0;
	[sflag:s30] =	ssyncadd.s32 $0xFFFFD800  }
0x1cd: {  	v0 =	vld [tilespmem:s3+$0x30]  }
0x1ce: {  	v1 =	vld [tilespmem:s3+$0xFFFFFFD0]  }
0x1cf: {  	v2 =	vld [tilespmem:s3+$0xFFFFFFE0]  }
0x1d0: {  	v3 =	vld [tilespmem:s3+$0xFFFFFFF0]  }
0x1d1: {  	v50 =	vld [tilespmem:s3+$0x0]  }
0x1d2: {  	s1 =	simm.s32 $0x40;
	v51 =	vld [tilespmem:s3+$0x10]  }
0x1d3: {  	s2 =	simm.s32 $0x9D40;
	v52 =	vld [tilespmem:s1+$0x30]  }
0x1d4: {  	v53 =	vld [tilespmem:s2+$0x30]  }
0x1d5: {  	v54 =	vld [tilespmem:s3+$0xFFFFFFC0]  }
0x1d6: {  	v55 =	vld [tilespmem:s3+$0x20]  }
0x1d7: {  	v56 =	vld [tilespmem:s1+$0xFFFFFFC0]  }
0x1d8: {  	v57 =	vld [tilespmem:s2+$0xFFFFFFC0]  }
0x1d9: {  	v58 =	vld [tilespmem:s2+$0xFFFFFFD0]  }
0x1da: {  	v59 =	vld [tilespmem:s2+$0xFFFFFFE0]  }
0x1db: {  	v0 =	vld.idx.msk [tilespmem:v0+s0+$0x0], $0xffff  }
0x1dc: {  	v11 =	vld [tilespmem:s1+$0xFFFFFFD0]  }
0x1dd: {  	v12 =	vld [tilespmem:s2+$0xFFFFFFF0]  }
0x1de: {  	v13 =	vld [tilespmem:s2+$0x0]  }
0x1df: {  	v60 =	vld [tilespmem:s1+$0xFFFFFFE0]  }
0x1e0: {  	v61 =	vld [tilespmem:s1+$0x0];
	v0 =	vmul.f32 v53, v0  }
0x1e1: {  	s3 =	simm.s32 $0x11380;
	v62 =	vld [tilespmem:s1+$0x10]  }
0x1e2: {  	[tilespmem:v52+s3+$0x0] =	vst.idx.add.f32.msk $0xffff, v0  }
0x1e3: {  	v0 =	vld.idx.msk [tilespmem:v54+s0+$0x0], $0xffff  }
0x1e4: {  	v63 =	vld [tilespmem:s2+$0x10]  }
0x1e5: {  	v14 =	vld [tilespmem:s2+$0x20]  }
0x1e6: {  	v1 =	vld.idx.msk [tilespmem:v1+s0+$0x0], $0xffff  }
0x1e7: {  	v2 =	vld.idx.msk [tilespmem:v2+s0+$0x0], $0xffff  }
0x1e8: {  	v4 =	vld.idx.msk [tilespmem:v50+s0+$0x0], $0xffff;
	v0 =	vmul.f32 v57, v0  }
0x1e9: {  	v5 =	vld.idx.msk [tilespmem:v51+s0+$0x0], $0xffff  }
0x1ea: {  	[tilespmem:v56+s3+$0x0] =	vst.idx.add.f32.msk $0xffff, v0  }
0x1eb: {  	v0 =	vld [tilespmem:s1+$0xFFFFFFF0]  }
0x1ec: {  	v3 =	vld.idx.msk [tilespmem:v3+s0+$0x0], $0xffff;
	v1 =	vmul.f32 v58, v1  }
0x1ed: {  	v9 =	vld.idx.msk [tilespmem:v55+s0+$0x0], $0xffff  }
0x1ee: {  	v2 =	vmul.f32 v59, v2;
	[tilespmem:v11+s3+$0x0] =	vst.idx.add.f32.msk $0xffff, v1  }
0x1ef: {  	v4 =	vmul.f32 v13, v4;
	v1 =	vld [tilespmem:s1+$0x20]  }
0x1f0: {  	[tilespmem:v60+s3+$0x0] =	vst.idx.add.f32.msk $0xffff, v2;
	v2 =	vmul.f32 v63, v5  }
0x1f1: {  	v3 =	vmul.f32 v12, v3;
	[tilespmem:v61+s3+$0x0] =	vst.idx.add.f32.msk $0xffff, v4  }
0x1f2: {  	[tilespmem:v62+s3+$0x0] =	vst.idx.add.f32.msk $0xffff, v2  }
0x1f3: {  	s4 =	simm.s32 $0x0;
	s5 =	simm.s32 $0x4F40;
	[tilespmem:v0+s3+$0x0] =	vst.idx.add.f32.msk $0xffff, v3;
	v0 =	vmul.f32 v14, v9  }
.LBB2_9:
0x1f4: {  	v2 =	vld [tilespmem:s5+$0x30];
	s4 =	sadd.s32 $0x80, s4  }
0x1f5: {  	v3 =	vld [tilespmem:s5+$0xFFFFFFD0];
	p1 =	slt.u32 s4, $0x4D80  }
0x1f6: {  	v4 =	vld [tilespmem:s5+$0xFFFFFFE0]  }
0x1f7: {  	v5 =	vld [tilespmem:s5+$0xFFFFFFF0]  }
0x1f8: {  	v6 =	vld [tilespmem:s5+$0x0]  }
0x1f9: {  	v7 =	vld [tilespmem:s5+$0x10]  }
0x1fa: {  	s1 =	sadd.s32 $0x80, s1;
	v8 =	vld [tilespmem:s5+$0x20]  }
0x1fb: {  	v9 =	vld [tilespmem:s1+$0x30]  }
0x1fc: {  	s2 =	sadd.s32 $0x80, s2;
	v2 =	vld.idx.msk [tilespmem:v2+s0+$0x0], $0xffff  }
0x1fd: {  	v10 =	vld [tilespmem:s2+$0x30]  }
0x1fe: {  	v11 =	vld [tilespmem:s5+$0xFFFFFFC0]  }
0x1ff: {  	v3 =	vld.idx.msk [tilespmem:v3+s0+$0x0], $0xffff  }
0x200: {  	v4 =	vld.idx.msk [tilespmem:v4+s0+$0x0], $0xffff  }
0x201: {  	v5 =	vld.idx.msk [tilespmem:v5+s0+$0x0], $0xffff  }
0x202: {  	v6 =	vld.idx.msk [tilespmem:v6+s0+$0x0], $0xffff;
	v2 =	vmul.f32 v10, v2  }
0x203: {  	v7 =	vld.idx.msk [tilespmem:v7+s0+$0x0], $0xffff  }
0x204: {  	[tilespmem:v9+s3+$0x0] =	vst.idx.add.f32.msk $0xffff, v2  }
0x205: {  	v2 =	vld.idx.msk [tilespmem:v8+s0+$0x0], $0xffff  }
0x206: {  	v8 =	vld.idx.msk [tilespmem:v11+s0+$0x0], $0xffff  }
0x207: {  	v9 =	vld [tilespmem:s2+$0xFFFFFFC0]  }
0x208: {  	v10 =	vld [tilespmem:s2+$0xFFFFFFD0]  }
0x209: {  	v11 =	vld [tilespmem:s2+$0xFFFFFFE0]  }
0x20a: {  	v12 =	vld [tilespmem:s2+$0xFFFFFFF0]  }
0x20b: {  	v13 =	vld [tilespmem:s2+$0x0]  }
0x20c: {  	v8 =	vmul.f32 v9, v8;
	v9 =	vld [tilespmem:s2+$0x10]  }
0x20d: {  	v3 =	vmul.f32 v10, v3;
	v10 =	vld [tilespmem:s2+$0x20]  }
0x20e: {  	v14 =	vld [tilespmem:s1+$0xFFFFFFC0];
	v4 =	vmul.f32 v11, v4  }
0x20f: {  	v11 =	vld [tilespmem:s1+$0xFFFFFFD0];
	v5 =	vmul.f32 v12, v5  }
0x210: {  	v12 =	vld [tilespmem:s1+$0xFFFFFFE0];
	v6 =	vmul.f32 v13, v6  }
0x211: {  	v13 =	vld [tilespmem:s1+$0xFFFFFFF0];
	v7 =	vmul.f32 v9, v7  }
0x212: {  	v9 =	vld [tilespmem:s1+$0x0];
	v2 =	vmul.f32 v10, v2  }
0x213: {  	v10 =	vld [tilespmem:s1+$0x10]  }
0x214: {  	v15 =	vld [tilespmem:s1+$0x20]  }
0x215: {  	[tilespmem:v1+s3+$0x0] =	vst.idx.add.f32.msk $0xffff, v0;
	v0 =	vmov v2  }
0x216: {  	[tilespmem:v14+s3+$0x0] =	vst.idx.add.f32.msk $0xffff, v8  }
.Ltmp4:
0x217: {  	[tilespmem:v11+s3+$0x0] =	vst.idx.add.f32.msk $0xffff, v3;
	(pc) =	sbr.rel @p1 .LBB2_9-.Ltmp4, $4  }
0x218: {  	[tilespmem:v12+s3+$0x0] =	vst.idx.add.f32.msk $0xffff, v4  }
0x219: {  	[tilespmem:v13+s3+$0x0] =	vst.idx.add.f32.msk $0xffff, v5;
	v1 =	vmov v15  }
0x21a: {  	[tilespmem:v9+s3+$0x0] =	vst.idx.add.f32.msk $0xffff, v6  }
0x21b: {  	s5 =	sadd.s32 $0x80, s5;
	[tilespmem:v10+s3+$0x0] =	vst.idx.add.f32.msk $0xffff, v7  }
0x21c: {  	_ =	sdelay $0x2  }
0x21d: {  	s0 =	simm.s32 $0x4DF0;
	s1 =	simm.s32 $0x4E00;
	s2 =	simm.s32 $0xEB00  }
0x21e: {  	[tilespmem:v1+s3+$0x0] =	vst.idx.add.f32.msk $0xffff, v0;
	s3 =	simm.s32 $0x9C80;
	s4 =	simm.s32 $0x13B80;
	s5 =	simm.s32 $0x11380  }
.LBB2_11:
0x21f: {  	v0 =	vld [tilespmem:s3+$0x0];
	_ =	sdelay $0x5  }
0x220: {  	v1 =	vld [tilespmem:s1+$0x0]  }
0x221: {  	v2 =	vld [tilespmem:s2+$0x0]  }
0x222: {  	v0 =	vld.idx.msk [tilespmem:v0+s4+$0x0], $0xffff  }
0x223: {  	s0 =	sadd.s32 $0x10, s0  }
0x224: {  	p1 =	slt.u32 s0, $0x4E10  }
.Ltmp5:
0x225: {  	_ = 	snop;
	(pc) =	sbr.rel @p1 .LBB2_11-.Ltmp5, $3  }
0x226: {  	_ = 	snop  }
0x227: {  	v0 =	vmul.f32 v2, v0;
	_ =	sdelay $0x1  }
0x228: {  	s1 =	sadd.s32 $0x10, s1;
	s2 =	sadd.s32 $0x10, s2;
	s3 =	sadd.s32 $0x10, s3;
	[tilespmem:v1+s5+$0x0] =	vst.idx.add.f32.msk $0xffff, v0  }
0x229: {  	s3 =	sld [smem:$0x7FA]  }
0x22a: {  	s0 =	simm.s32 $0x80  }
0x22b: {  	s1 =	simm.s32 $0x400;
	s2 =	simm.s32 $0x11380;
	s12 =	simm.s32 $0x2  }
0x22c: {  	[spmem:s3] =	stream.strided.scatter [tilespmem:s2], [sflag:$0x2], $0x2800, s1, s0, $0x38;
	[tilespmem:$0x1C080] =	vst v63  }
0x22d: {  	_ =	swait.ge [sflag:s12], $0x2800  }
0x22e: {  	[sflag:s12] =	ssyncset.done $0x0  }
0x22f: {  	[sflag:s12] =	ssyncadd.s32 $0xFFFFD800  }
0x230: {  	[bflag:$0x0] =	sbarrier.arrive $0xFFFF  }
0x231: {  	s4 =	sld [smem:$0x7FB];
	_ =	sdelay $0x1  }
0x232: {  	s13 =	simm.s32 $0x1400;
	s14 =	simm.s32 $0x14000;
	s15 =	simm.s32 $0x16380  }
0x233: {  	[tilespmem:s15], [sflag:$0x2] =	stream.strided.gather [spmem:s4], $0x2800, s14, s13, $0x38;
	[tilespmem:$0x1C080] =	vst v63  }
0x234: {  	_ =	swait.ge [sflag:s12], $0x2800  }
0x235: {  	[sflag:s12] =	ssyncset.done $0x0  }
0x236: {  	s9 =	simm.s32 $0x1;
	[sflag:s12] =	ssyncadd.s32 $0xFFFFD800  }
0x237: {  	s16 =	simm.s32 $0x18E00;
	_ =	swait.ge [sflag:s9], $0x80  }
0x238: {  	s3 =	simm.s32 $0x0;
	s4 =	simm.s32 $0x0;
	[sflag:s9] =	ssyncset.done $0x0  }
0x239: {  	s5 =	sand.u32 $0x1C00, s3;
	s0 =	sand.u32 $0x40, s4;
	[sflag:s9] =	ssyncadd.s32 $0xFFFFFF80  }
0x23a: {  	s17 =	simm.s32 $0x19080;
	s7 =	sor.u32 $0x16380, s5;
	s6 =	sor.u32 $0x30, s0;
	v1 =	vld [tilespmem:s16+$0x0]  }
0x23b: {  	s8 =	sor.u32 s6, s7;
	v2 =	vld [tilespmem:s17+$0x0]  }
0x23c: {  	p1 =	por $0x0, $0x0;
	s2 =	simm.s32 $0x1;
	s1 =	sor.u32 $0x10, s0;
	v10 =	vld [tilespmem:s8+$0x0]  }
0x23d: {  	s2 =	simm.s32 @!p1 $0x0;
	s10 =	sor.u32 s1, s7;
	v12 =	vld [tilespmem:s8+$0x80]  }
0x23e: {  	s11 =	sshll.u32 s2, $0x6;
	v0 =	vld [tilespmem:s10+$0x0]  }
0x23f: {  	s14 =	sadd.s32 $0x0, s11;
	v13 =	vld [tilespmem:s8+$0x100]  }
0x240: {  	s18 =	sadd.s32 $0x30, s14;
	v6 =	vld [tilespmem:s10+$0x80]  }
0x241: {  	s19 =	sor.u32 $0x200, s18;
	v14 =	vld [tilespmem:s8+$0x180]  }
0x242: {  	s20 =	sor.u32 $0x280, s18;
	v15 =	vld [tilespmem:s19+$0x16380]  }
0x243: {  	s21 =	sor.u32 $0x300, s18;
	v17 =	vld [tilespmem:s20+$0x16380]  }
0x244: {  	s15 =	sadd.s32 $0x17800, s5;
	v18 =	vld [tilespmem:s21+$0x16380]  }
0x245: {  	s13 =	sadd.s32 $0x17880, s5;
	s23 =	sor.u32 s6, s15;
	v20 =	vld [tilespmem:s10+$0x100]  }
0x246: {  	s24 =	sor.u32 s6, s13;
	v23 =	vld [tilespmem:s23+$0x0]  }
0x247: {  	s12 =	sadd.s32 $0x17900, s5;
	v24 =	vld [tilespmem:s24+$0x0]  }
0x248: {  	s11 =	sadd.s32 $0x17980, s5;
	s25 =	sor.u32 s6, s12;
	v25 =	vld [tilespmem:s10+$0x180]  }
0x249: {  	s26 =	sor.u32 s6, s11;
	v26 =	vld [tilespmem:s25+$0x0]  }
0x24a: {  	s3 =	sor.u32 s3, s4;
	v28 =	vld [tilespmem:s26+$0x0]  }
0x24b: {  	s2 =	sor.u32 $0x20, s0;
	s3 =	sor.u32 $0x380, s3;
	v3 =	vld [tilespmem:$0x19580]  }
0x24c: {  	s17 =	sor.u32 s2, s7;
	v44 =	vld [tilespmem:s3+$0x16380]  }
0x24d: {  	v8 =	vld [tilespmem:s17+$0x0]  }
0x24e: {  	s7 =	sor.u32 s0, s7;
	v16 =	vld [tilespmem:s17+$0x80]  }
0x24f: {  	v5 =	vld [tilespmem:s7+$0x0]  }
0x250: {  	s8 =	sor.u32 $0x380, s18;
	v7 =	vld [tilespmem:s7+$0x80]  }
0x251: {  	v19 =	vld [tilespmem:s8+$0x16380]  }
0x252: {  	v22 =	vld [tilespmem:s17+$0x100]  }
0x253: {  	v9 =	vld [tilespmem:s7+$0x100]  }
0x254: {  	s28 =	sadd.s32 $0x10, s14;
	v27 =	vld [tilespmem:s17+$0x180]  }
0x255: {  	s18 =	sor.u32 $0x200, s28;
	v29 =	vld [tilespmem:s7+$0x180]  }
0x256: {  	s21 =	sor.u32 $0x200, s14;
	v31 =	vld [tilespmem:s18+$0x16380]  }
0x257: {  	s24 =	sor.u32 $0x280, s14;
	v35 =	vld [tilespmem:s21+$0x16380]  }
0x258: {  	s25 =	sor.u32 $0x300, s28;
	v38 =	vld [tilespmem:s24+$0x16380]  }
0x259: {  	s16 =	sadd.s32 $0x17780, s5;
	s19 =	sadd.s32 $0x20, s14;
	s14 =	sor.u32 $0x300, s14;
	v39 =	vld [tilespmem:s25+$0x16380]  }
0x25a: {  	s10 =	sadd.s32 $0x17A00, s5;
	s22 =	sor.u32 s6, s16;
	v41 =	vld [tilespmem:s14+$0x16380]  }
0x25b: {  	s29 =	sor.u32 s6, s10;
	v21 =	vld [tilespmem:s22+$0x0]  }
0x25c: {  	s20 =	sor.u32 $0x200, s19;
	v30 =	vld [tilespmem:s29+$0x0]  }
0x25d: {  	s23 =	sor.u32 $0x280, s19;
	v33 =	vld [tilespmem:s20+$0x16380]  }
0x25e: {  	s26 =	sor.u32 $0x300, s19;
	v37 =	vld [tilespmem:s23+$0x16380]  }
0x25f: {  	s17 =	sor.u32 $0x380, s28;
	v40 =	vld [tilespmem:s26+$0x16380]  }
0x260: {  	s14 =	sor.u32 s0, s16;
	v42 =	vld [tilespmem:s17+$0x16380]  }
0x261: {  	s18 =	sor.u32 s0, s15;
	v47 =	vld [tilespmem:s14+$0x0]  }
0x262: {  	s8 =	sadd.s32 $0x17A80, s5;
	s24 =	sor.u32 s0, s12;
	v49 =	vld [tilespmem:s18+$0x0]  }
0x263: {  	s7 =	sadd.s32 $0x17B00, s5;
	s30 =	sor.u32 s6, s8;
	v52 =	vld [tilespmem:s24+$0x0]  }
0x264: {  	s5 =	sand.u32 $0x380, s4;
	s20 =	sor.u32 s6, s7;
	v32 =	vld [tilespmem:s30+$0x0]  }
0x265: {  	s6 =	sor.u32 s5, s6;
	v34 =	vld [tilespmem:s20+$0x0]  }
0x266: {  	s22 =	sor.u32 $0x280, s28;
	v11 =	vld [tilespmem:s6+$0x19080]  }
0x267: {  	v36 =	vld [tilespmem:s22+$0x16380]  }
0x268: {  	s28 =	sor.u32 $0x380, s19;
	v4 =	vld [tilespmem:s6+$0x18E00]  }
0x269: {  	s29 =	sor.u32 s1, s16;
	v43 =	vld [tilespmem:s28+$0x16380];
	v10 =	vadd.f32 v12, v10  }
0x26a: {  	s26 =	sor.u32 s2, s11;
	v45 =	vld [tilespmem:s29+$0x0]  }
0x26b: {  	s30 =	sor.u32 s2, s16;
	v53 =	vld [tilespmem:s26+$0x0];
	v10 =	vadd.f32 v13, v10  }
0x26c: {  	s16 =	sor.u32 s1, s15;
	v46 =	vld [tilespmem:s30+$0x0]  }
0x26d: {  	s20 =	sor.u32 s2, s13;
	v48 =	vld [tilespmem:s16+$0x0];
	v10 =	vadd.f32 v14, v10  }
0x26e: {  	s22 =	sor.u32 s1, s12;
	v50 =	vld [tilespmem:s20+$0x0]  }
0x26f: {  	s29 =	sor.u32 s1, s10;
	v51 =	vld [tilespmem:s22+$0x0];
	v10 =	vadd.f32 v15, v10  }
0x270: {  	s25 =	sor.u32 s1, s11;
	s28 =	sor.u32 s0, s11;
	s11 =	sor.u32 s0, s10;
	v54 =	vld [tilespmem:s29+$0x0]  }
0x271: {  	s21 =	sor.u32 s0, s13;
	s19 =	sor.u32 s1, s13;
	s13 =	sor.u32 s2, s8;
	v55 =	vld [tilespmem:s11+$0x0];
	v10 =	vadd.f32 v17, v10  }
0x272: {  	s17 =	sor.u32 s2, s15;
	s15 =	sor.u32 s1, s7;
	v56 =	vld [tilespmem:s13+$0x0]  }
0x273: {  	v57 =	vld [tilespmem:s15+$0x0];
	v10 =	vadd.f32 v18, v10  }
0x274: {  	s16 =	sor.u32 s2, s7;
	v12 =	vld [tilespmem:s17+$0x0]  }
0x275: {  	s14 =	sor.u32 s0, s8;
	s0 =	sor.u32 s0, s7;
	v59 =	vld [tilespmem:s16+$0x0];
	v10 =	vadd.f32 v19, v10  }
0x276: {  	s7 =	sor.u32 s5, s1;
	v0 =	vadd.f32 v6, v0;
	v6 =	vld [tilespmem:s0+$0x0];
	v5 =	vadd.f32 v7, v5  }
0x277: {  	s31 =	simm.s32 $0x200;
	s4 =	simm.s32 $0x40;
	v60 =	vld [tilespmem:s7+$0x19080];
	v10 =	vadd.f32 v21, v10  }
0x278: {  	s23 =	sor.u32 s2, s12;
	s12 =	sor.u32 s1, s8;
	s11 =	sor.u32 s5, s2;
	v61 =	vld [tilespmem:s7+$0x18E00];
	v5 =	vadd.f32 v9, v5  }
0x279: {  	s8 =	sand.u32 $0x40, s4;
	s30 =	sor.u32 s2, s10;
	s2 =	sand.u32 $0x1C00, s31;
	v62 =	vld [tilespmem:s11+$0x18E00];
	v8 =	vadd.f32 v16, v8;
	v23 =	vadd.f32 v23, v10  }
0x27a: {  	s15 =	sor.u32 $0x30, s8;
	s18 =	sor.u32 $0x16380, s2;
	v7 =	vld [tilespmem:s11+$0x19080];
	v0 =	vadd.f32 v20, v0;
	v5 =	vadd.f32 v29, v5  }
0x27b: {  	v13 =	vld [tilespmem:s19+$0x0];
	s19 =	sor.u32 s15, s18;
	v8 =	vadd.f32 v22, v8;
	v58 =	vadd.f32 v24, v23  }
0x27c: {  	v63 =	vld [tilespmem:s19+$0x0];
	v0 =	vadd.f32 v25, v0;
	v5 =	vadd.f32 v35, v5  }
0x27d: {  	v14 =	vld [tilespmem:s21+$0x0];
	v8 =	vadd.f32 v27, v8;
	v16 =	vadd.f32 v26, v58  }
0x27e: {  	s17 =	simm.s32 $0x190C0;
	v15 =	vld [tilespmem:s23+$0x0];
	v9 =	vadd.f32 v31, v0;
	v5 =	vadd.f32 v38, v5  }
0x27f: {  	v0 =	vld [tilespmem:s17+$0x0];
	v8 =	vadd.f32 v33, v8;
	v16 =	vadd.f32 v28, v16  }
0x280: {  	v17 =	vld [tilespmem:s25+$0x0];
	v9 =	vadd.f32 v36, v9;
	v5 =	vadd.f32 v41, v5  }
0x281: {  	v36 =	vld [tilespmem:s19+$0x80];
	v33 =	vadd.f32 v37, v8;
	v16 =	vadd.f32 v30, v16  }
0x282: {  	v37 =	vld [tilespmem:s19+$0x100];
	v9 =	vadd.f32 v39, v9;
	v5 =	vadd.f32 v44, v5  }
0x283: {  	p1 =	por !p1, !p1;
	s13 =	sor.u32 $0x20, s8;
	v18 =	vld [tilespmem:s28+$0x0];
	v16 =	vadd.f32 v32, v16  }
0x284: {  	s9 =	simm.s32 @!p1 $0x0;
	s21 =	sor.u32 s13, s18;
	v19 =	vld [tilespmem:s30+$0x0];
	v38 =	vadd.f32 v42, v9;
	v5 =	vadd.f32 v47, v5  }
0x285: {  	s9 =	sshll.u32 s9, $0x6;
	v42 =	vld [tilespmem:s21+$0x0];
	v26 =	vadd.f32 v40, v33;
	v16 =	vadd.f32 v34, v16  }
0x286: {  	s9 =	sadd.s32 $0x200, s9;
	v44 =	vld [tilespmem:s21+$0x80];
	v29 =	vadd.f32 v45, v38;
	v5 =	vadd.f32 v49, v5  }
0x287: {  	s22 =	sadd.s32 $0x30, s9;
	s25 =	sor.u32 s8, s18;
	v21 =	vld [tilespmem:s12+$0x0];
	v39 =	vadd.f32 v43, v26;
	v11 =	vadd.f32 v11, v16  }
0x288: {  	s26 =	sor.u32 $0x300, s22;
	v45 =	vld [tilespmem:s25+$0x0];
	v29 =	vadd.f32 v48, v29;
	v5 =	vadd.f32 v14, v5  }
0x289: {  	s12 =	sor.u32 $0x10, s8;
	v47 =	vld [tilespmem:s26+$0x16380];
	v4 =	vmul.f32 v11, v4;
	v11 =	vadd.f32 v46, v39  }
0x28a: {  	s20 =	sor.u32 s12, s18;
	v10 =	vld [tilespmem:s14+$0x0];
	v13 =	vadd.f32 v13, v29;
	v5 =	vadd.f32 v52, v5  }
0x28b: {  	v8 =	vld [tilespmem:s20+$0x0];
	v4 =	vadd.f32 v4, v3;
	v11 =	vadd.f32 v12, v11  }
0x28c: {  	v9 =	vld [tilespmem:s20+$0x80];
	v13 =	vadd.f32 v51, v13  }
0x28d: {  	v40 =	vld [tilespmem:s19+$0x180];
	v5 =	vadd.f32 v18, v5;
	v46 =	vmul.f32 $1.442695020e+00, v4;
	v11 =	vadd.f32 v50, v11  }
0x28e: {  	s23 =	sor.u32 $0x200, s22;
	s18 =	sadd.s32 $0x17780, s2;
	v48 =	vld [tilespmem:s25+$0x80];
	v49 =	vadd.f32 v36, v63;
	v13 =	vadd.f32 v17, v13  }
0x28f: {  	s29 =	sor.u32 s15, s18;
	v43 =	vld [tilespmem:s23+$0x16380];
	v5 =	vadd.f32 v55, v5;
	(erf) = vpow2.f32 v46;
	v11 =	vadd.f32 v15, v11  }
0x290: {  	s24 =	sor.u32 $0x280, s22;
	v14 =	vld [tilespmem:s29+$0x0];
	v17 =	vadd.f32 v37, v49;
	v13 =	vadd.f32 v54, v13  }
0x291: {  	s17 =	sadd.s32 $0x17800, s2;
	v5 =	vadd.f32 v10, v5;
	v12 =	vld [tilespmem:s24+$0x16380];
	v11 =	vadd.f32 v53, v11  }
0x292: {  	s3 =	sadd.s32 $0x17880, s2;
	s30 =	sor.u32 s15, s17;
	v51 =	vld [tilespmem:s21+$0x100];
	v17 =	vadd.f32 v40, v17;
	v13 =	vadd.f32 v21, v13  }
0x293: {  	s1 =	sadd.s32 $0x17900, s2;
	s5 =	sor.u32 s15, s3;
	v52 =	vld [tilespmem:s30+$0x0];
	v5 =	vadd.f32 v6, v5;
	v11 =	vadd.f32 v19, v11  }
0x294: {  	s16 =	sor.u32 s15, s1;
	v54 =	vld [tilespmem:s5+$0x0];
	v13 =	vadd.f32 v57, v13;
	v16 =	vadd.f32 v43, v17  }
0x295: {  	s0 =	sadd.s32 $0x17980, s2;
	s28 =	sor.u32 $0x380, s22;
	s14 =	sadd.s32 $0x17B00, s2;
	v57 =	vld [tilespmem:s16+$0x0];
	v2 =	vadd.f32 v2, v5;
	v11 =	vadd.f32 v56, v11  }
0x296: {  	s10 =	sadd.s32 $0x17A80, s2;
	s16 =	sadd.s32 $0x17A00, s2;
	s2 =	sor.u32 s15, s14;
	v15 =	vld [tilespmem:s28+$0x16380];
	v12 =	vadd.f32 v12, v16  }
0x297: {  	v13 =	vadd.f32 v60, v13;
	v1 =	vmul.f32 v2, v1;
	v2 =	vld [tilespmem:s2+$0x0];
	v11 =	vadd.f32 v59, v11  }
0x298: {  	v50 =	vld [tilespmem:s20+$0x100];
	v12 =	vadd.f32 v47, v12;
	v58 =	vpop (erf)  }
0x299: {  	v53 =	vld [tilespmem:s25+$0x100];
	v20 =	vadd.f32 $1.000000000e+00, v58;
	v7 =	vadd.f32 v7, v11;
	v11 =	vmul.f32 v13, v61  }
0x29a: {  	v56 =	vld [tilespmem:s20+$0x180];
	s20 =	sor.u32 s15, s0  }
0x29b: {  	v10 =	vld [tilespmem:s20+$0x0];
	v20 =	vmul.f32 v20, v20;
	v6 =	vadd.f32 v11, v3;
	v11 =	vadd.f32 v15, v12  }
0x29c: {  	s20 =	sadd.s32 $0x10, s9;
	v59 =	vld [tilespmem:s21+$0x180];
	s21 =	sor.u32 s15, s16;
	v7 =	vmul.f32 v7, v62  }
0x29d: {  	s30 =	sor.u32 $0x300, s20;
	v60 =	vld [tilespmem:s21+$0x0];
	v15 =	vadd.f32 $1.000000000e+00, v20;
	v11 =	vadd.f32 v14, v11  }
0x29e: {  	s19 =	sor.u32 $0x380, s20;
	v33 =	vld [tilespmem:s30+$0x16380];
	v5 =	vadd.f32 v7, v3;
	v7 =	vmul.f32 $1.442695020e+00, v6  }
0x29f: {  	v8 =	vadd.f32 v9, v8;
	v9 =	vld [tilespmem:s19+$0x16380];
	(erf) = vrcp.f32 v15;
	v11 =	vadd.f32 v52, v11  }
0x2a0: {  	s23 =	sor.u32 s15, s10;
	v13 =	vld [tilespmem:s25+$0x180];
	(erf) = vpow2.f32 v7;
	v7 =	vadd.f32 v1, v3  }
0x2a1: {  	s21 =	sadd.s32 $0x20, s9;
	s19 =	sor.u32 s12, s0;
	v61 =	vld [tilespmem:s23+$0x0];
	v15 =	vmul.f32 $1.442695020e+00, v5;
	v3 =	vadd.f32 v54, v11  }
0x2a2: {  	s28 =	sor.u32 $0x280, s21;
	v55 =	vld [tilespmem:s19+$0x0];
	v11 =	vmul.f32 $1.442695020e+00, v7  }
0x2a3: {  	s22 =	sor.u32 $0x200, s20;
	v63 =	vld [tilespmem:s28+$0x16380];
	(erf) = vpow2.f32 v15;
	v3 =	vadd.f32 v57, v3  }
0x2a4: {  	v29 =	vadd.f32 v48, v45;
	s25 =	sor.u32 $0x200, s9;
	v12 =	vld [tilespmem:s22+$0x16380];
	(erf) = vpow2.f32 v11  }
0x2a5: {  	v8 =	vadd.f32 v50, v8;
	s26 =	sor.u32 $0x280, s20;
	v62 =	vld [tilespmem:s25+$0x16380];
	v3 =	vadd.f32 v10, v3  }
0x2a6: {  	s29 =	sor.u32 $0x280, s9;
	s2 =	sand.u32 $0x380, s4;
	v21 =	vadd.f32 v53, v29;
	s9 =	sor.u32 $0x300, s9;
	v1 =	vld [tilespmem:s26+$0x16380]  }
0x2a7: {  	v8 =	vadd.f32 v56, v8;
	v11 =	vld [tilespmem:s9+$0x16380];
	s9 =	sor.u32 s2, s15;
	v3 =	vadd.f32 v60, v3  }
0x2a8: {  	v13 =	vadd.f32 v13, v21;
	v39 =	vld [tilespmem:s9+$0x19080]  }
0x2a9: {  	v8 =	vadd.f32 v12, v8;
	v15 =	vld [tilespmem:s29+$0x16380];
	v3 =	vadd.f32 v61, v3  }
0x2aa: {  	s24 =	sor.u32 $0x200, s21;
	v13 =	vadd.f32 v62, v13;
	v10 =	vadd.f32 v44, v42;
	v42 =	vld [tilespmem:s9+$0x18E00];
	v36 =	vpop (erf)  }
0x2ab: {  	v14 =	vld [tilespmem:s24+$0x16380];
	v1 =	vadd.f32 v1, v8;
	v38 =	vpop (erf);
	v3 =	vadd.f32 v2, v3  }
0x2ac: {  	s5 =	sor.u32 $0x300, s21;
	v10 =	vadd.f32 v51, v10;
	v30 =	vadd.f32 $1.000000000e+00, v38;
	v41 =	vpop (erf);
	v2 =	vld [tilespmem:$0x19580]  }
0x2ad: {  	s20 =	sor.u32 $0x380, s21;
	v35 =	vld [tilespmem:s5+$0x16380];
	v27 =	vadd.f32 $1.000000000e+00, v41;
	v45 =	vpop (erf);
	v3 =	vadd.f32 v39, v3  }
0x2ae: {  	s23 =	sor.u32 s12, s18;
	v37 =	vld [tilespmem:s20+$0x16380];
	v10 =	vadd.f32 v59, v10;
	v46 =	vmul.f32 v30, v30;
	v17 =	vadd.f32 $1.000000000e+00, v45  }
0x2af: {  	s21 =	sor.u32 s31, s4;
	v43 =	vld [tilespmem:s23+$0x0];
	s28 =	sor.u32 s13, s17;
	v13 =	vadd.f32 v15, v13;
	v27 =	vmul.f32 v27, v27;
	v3 =	vmul.f32 v3, v42  }
0x2b0: {  	s22 =	sor.u32 $0x380, s21;
	v48 =	vld [tilespmem:s28+$0x0];
	v10 =	vadd.f32 v14, v10;
	v14 =	vadd.f32 $1.000000000e+00, v46;
	v17 =	vmul.f32 v17, v17  }
0x2b1: {  	s25 =	sor.u32 s8, s18;
	v40 =	vld [tilespmem:s22+$0x16380];
	v49 =	vadd.f32 $1.000000000e+00, v27;
	v3 =	vadd.f32 v3, v2  }
0x2b2: {  	v47 =	vld [tilespmem:s25+$0x0];
	s26 =	sor.u32 s12, s17;
	v1 =	vadd.f32 v33, v1;
	(erf) = vrcp.f32 v14;
	v50 =	vadd.f32 $1.000000000e+00, v17  }
0x2b3: {  	s24 =	sor.u32 s13, s18;
	v12 =	vld [tilespmem:s26+$0x0];
	v10 =	vadd.f32 v63, v10;
	(erf) = vrcp.f32 v49;
	v15 =	vmul.f32 $1.442695020e+00, v3  }
0x2b4: {  	s29 =	sor.u32 s8, s17;
	v44 =	vld [tilespmem:s24+$0x0];
	v11 =	vadd.f32 v11, v13;
	(erf) = vrcp.f32 v50  }
0x2b5: {  	s30 =	sor.u32 s12, s3;
	s5 =	sor.u32 s13, s3;
	s3 =	sor.u32 s8, s3;
	v1 =	vadd.f32 v9, v1;
	v10 =	vadd.f32 v35, v10;
	v14 =	vld [tilespmem:s29+$0x0];
	(erf) = vpow2.f32 v15  }
0x2b6: {  	v53 =	vld [tilespmem:s3+$0x0];
	v11 =	vadd.f32 v40, v11  }
0x2b7: {  	v8 =	vld [tilespmem:s30+$0x0];
	v1 =	vadd.f32 v43, v1;
	v9 =	vadd.f32 v37, v10  }
0x2b8: {  	s20 =	sor.u32 s13, s0;
	v52 =	vadd.f32 $-1.000000000e+00, v20;
	v51 =	vld [tilespmem:s5+$0x0];
	v11 =	vadd.f32 v47, v11  }
0x2b9: {  	v56 =	vld [tilespmem:s20+$0x0];
	s18 =	sor.u32 s13, s1;
	v1 =	vadd.f32 v12, v1;
	v9 =	vadd.f32 v44, v9  }
0x2ba: {  	s21 =	sor.u32 s12, s16;
	v57 =	vadd.f32 $-1.000000000e+00, v27;
	v15 =	vld [tilespmem:s18+$0x0];
	v11 =	vadd.f32 v14, v11  }
0x2bb: {  	v58 =	vld [tilespmem:s21+$0x0];
	s17 =	sor.u32 s12, s1;
	s1 =	sor.u32 s8, s1;
	v9 =	vadd.f32 v48, v9;
	v12 =	vpop (erf)  }
0x2bc: {  	v54 =	vld [tilespmem:s1+$0x0];
	v1 =	vadd.f32 v8, v1;
	v10 =	vmul.f32 v52, v4;
	v14 =	vmul.f32 v57, v5;
	v8 =	vpop (erf)  }
0x2bd: {  	s22 =	sor.u32 s13, s16;
	v13 =	vld [tilespmem:s17+$0x0];
	v21 =	vadd.f32 $-1.000000000e+00, v46;
	v9 =	vadd.f32 v51, v9;
	v61 =	vpop (erf)  }
0x2be: {  	s24 =	sor.u32 s12, s10;
	v59 =	vld [tilespmem:s22+$0x0];
	v10 =	vmul.f32 v36, v10;
	v14 =	vmul.f32 v8, v14;
	v8 =	vadd.f32 v53, v11;
	v11 =	vpop (erf)  }
0x2bf: {  	vm0 =	vgt.f32 v4, $1.500000000e+01;
	s0 =	sor.u32 s8, s0;
	v62 =	vld [tilespmem:s24+$0x0];
	v9 =	vadd.f32 v15, v9;
	v11 =	vadd.f32 $1.000000000e+00, v11  }
0x2c0: {  	s23 =	sor.u32 s8, s16;
	vm14 =	vgt.f32 v6, $1.500000000e+01;
	v21 =	vmul.f32 v21, v6;
	v4 =	vsel vm0, v4, v10;
	v10 =	vld [tilespmem:s0+$0x0]  }
0x2c1: {  	s26 =	sor.u32 s8, s10;
	v60 =	vld [tilespmem:s23+$0x0];
	v17 =	vadd.f32 $-1.000000000e+00, v17;
	v9 =	vadd.f32 v56, v9;
	v11 =	vmul.f32 v11, v11  }
0x2c2: {  	s25 =	sor.u32 s13, s10;
	v63 =	vld [tilespmem:s26+$0x0];
	v1 =	vadd.f32 v13, v1;
	v12 =	vmul.f32 v12, v21;
	v15 =	vadd.f32 v54, v8  }
0x2c3: {  	s30 =	sor.u32 s8, s14;
	v13 =	vld [tilespmem:s25+$0x0];
	v17 =	vmul.f32 v17, v7;
	v16 =	vadd.f32 v59, v9;
	v9 =	vadd.f32 $1.000000000e+00, v11  }
0x2c4: {  	vm1 =	vgt.f32 v5, $1.500000000e+01;
	s29 =	sor.u32 s13, s14;
	v1 =	vadd.f32 v55, v1;
	[tilespmem:s6+$0x19300] =	vst v4;
	v4 =	vld [tilespmem:s30+$0x0];
	v12 =	vsel vm14, v6, v12  }
0x2c5: {  	s28 =	sor.u32 s12, s14;
	v6 =	vld [tilespmem:s29+$0x0];
	v17 =	vmul.f32 v61, v17;
	v10 =	vadd.f32 v10, v15;
	(erf) = vrcp.f32 v9  }
0x2c6: {  	vm15 =	vgt.f32 v7, $1.500000000e+01;
	s10 =	simm.s32 $0x18E40;
	v8 =	vld [tilespmem:s28+$0x0];
	v5 =	vsel vm1, v5, v14;
	v15 =	vadd.f32 v58, v1  }
0x2c7: {  	s8 =	sor.u32 s2, s13;
	s6 =	simm.s32 $0x19300;
	[tilespmem:s7+$0x19300] =	vst v12;
	v1 =	vld [tilespmem:s10+$0x0];
	v7 =	vsel vm15, v7, v17;
	v10 =	vadd.f32 v60, v10;
	v14 =	vadd.f32 $-1.000000000e+00, v11  }
0x2c8: {  	s7 =	sor.u32 s2, s12;
	v12 =	vadd.f32 v62, v15;
	[tilespmem:s6+$0x0] =	vst v7;
	v7 =	vld [tilespmem:s8+$0x19080]  }
0x2c9: {  	[tilespmem:s11+$0x19300] =	vst v5;
	s11 =	simm.s32 $0x19100;
	v11 =	vadd.f32 v13, v16;
	v10 =	vadd.f32 v63, v10;
	v9 =	vld [tilespmem:s7+$0x19080];
	v5 =	vmul.f32 v14, v3  }
.LBB2_13:
0x2ca: {  	_ =	sdelay $0x1  }
0x2cb: {  	s4 =	sadd.s32 $0x40, s4;
	s31 =	sadd.s32 $0x200, s31  }
0x2cc: {  	v13 =	vld [tilespmem:s7+$0x18E00];
	s10 =	sadd.s32 $0x40, s10;
	p1 =	por !p1, !p1;
	s17 =	sand.u32 $0x1C00, s31  }
0x2cd: {  	v14 =	vld [tilespmem:s8+$0x18E00];
	s13 =	sand.u32 $0x40, s4;
	s0 =	sor.u32 s31, s4;
	s2 =	sor.u32 $0x16380, s17;
	v8 =	vadd.f32 v8, v12;
	v12 =	vpop (erf)  }
0x2ce: {  	s15 =	sor.u32 $0x10, s13;
	s14 =	sor.u32 $0x30, s13;
	s0 =	sor.u32 $0x380, s0;
	v6 =	vadd.f32 v6, v11;
	v11 =	vld [tilespmem:s10+$0x0];
	v5 =	vmul.f32 v12, v5  }
0x2cf: {  	vm0 =	vgt.f32 v3, $1.500000000e+01;
	s12 =	sor.u32 s14, s2;
	[dreg:$0x6] =	wrdreg s0;
	s0 =	simm.s32 $0x1;
	v4 =	vadd.f32 v4, v10;
	v10 =	vld [tilespmem:s11+$0x0]  }
0x2d0: {  	s3 =	sor.u32 s15, s2;
	s0 =	simm.s32 @!p1 $0x0;
	v8 =	vadd.f32 v9, v8;
	v9 =	vld [tilespmem:s12+$0x0];
	v3 =	vsel vm0, v3, v5  }
0x2d1: {  	s0 =	sshll.u32 s0, $0x6;
	v0 =	vadd.f32 v0, v4;
	v4 =	vadd.f32 v7, v6;
	v7 =	vld [tilespmem:s3+$0x0];
	[tilespmem:s9+$0x19300] =	vst v3  }
0x2d2: {  	s18 =	sadd.s32 s0, s31;
	v3 =	vmul.f32 v8, v13;
	v6 =	vld [tilespmem:s12+$0x80]  }
0x2d3: {  	s21 =	sadd.s32 $0x30, s18;
	v12 =	vmul.f32 v0, v1;
	v1 =	vmov v11;
	v11 =	vld [tilespmem:s3+$0x80];
	v5 =	vmul.f32 v4, v14  }
0x2d4: {  	s22 =	sor.u32 $0x200, s21;
	v8 =	vld [tilespmem:s12+$0x100];
	v4 =	vadd.f32 v3, v2  }
0x2d5: {  	s16 =	sor.u32 $0x20, s13;
	v5 =	vadd.f32 v5, v2;
	v14 =	vld [tilespmem:s22+$0x16380]  }
0x2d6: {  	s1 =	sor.u32 s13, s2;
	s2 =	sor.u32 s16, s2;
	s19 =	sadd.s32 $0x10, s18;
	v0 =	vmov v10;
	v3 =	vadd.f32 v12, v2;
	v2 =	vld [tilespmem:s12+$0x180];
	v10 =	vmul.f32 $1.442695020e+00, v4  }
0x2d7: {  	s20 =	sadd.s32 $0x20, s18;
	s25 =	sor.u32 $0x280, s18;
	s29 =	sor.u32 $0x300, s18;
	v12 =	vld [tilespmem:s2+$0x0];
	v13 =	vmul.f32 $1.442695020e+00, v5;
	v6 =	vadd.f32 v6, v9  }
0x2d8: {  	s0 =	sor.u32 $0x200, s19;
	s23 =	sor.u32 $0x280, s19;
	s5 =	sor.u32 $0x280, s20;
	v7 =	vadd.f32 v11, v7;
	v11 =	vld [tilespmem:s1+$0x80];
	v9 =	vmul.f32 $1.442695020e+00, v3;
	(erf) = vpow2.f32 v10  }
0x2d9: {  	[dreg:$0x13] =	wrdreg s25;
	s26 =	sor.u32 $0x300, s19;
	s28 =	sor.u32 $0x280, s21;
	v10 =	vld [tilespmem:s2+$0x80];
	(erf) = vpow2.f32 v13;
	v6 =	vadd.f32 v8, v6  }
0x2da: {  	s30 =	sor.u32 $0x380, s19;
	s19 =	sor.u32 $0x380, s20;
	s9 =	sor.u32 $0x200, s20;
	v8 =	vld [tilespmem:s28+$0x16380];
	(erf) = vpow2.f32 v9  }
0x2db: {  	s12 =	sor.u32 $0x200, s18;
	s18 =	sor.u32 $0x300, s20;
	s20 =	sor.u32 $0x300, s21;
	v13 =	vld [tilespmem:s3+$0x100];
	v2 =	vadd.f32 v2, v6  }
0x2dc: {  	[dreg:$0xb] =	wrdreg s29;
	v6 =	vld [tilespmem:s20+$0x16380]  }
0x2dd: {  	s24 =	sadd.s32 $0x17780, s17;
	[dreg:$0x17] =	wrdreg s5;
	s22 =	sor.u32 $0x380, s21;
	v9 =	vld [tilespmem:s1+$0x0];
	v2 =	vadd.f32 v14, v2  }
0x2de: {  	s25 =	sor.u32 s15, s24;
	[dreg:$0xd] =	wrdreg s26;
	v10 =	vadd.f32 v10, v12;
	v12 =	vld [tilespmem:s22+$0x16380]  }
0x2df: {  	s29 =	sor.u32 s13, s24;
	[dreg:$0xa] =	wrdreg s30;
	s28 =	sor.u32 s14, s24;
	v14 =	vld [tilespmem:s2+$0x100];
	v2 =	vadd.f32 v8, v2  }
0x2e0: {  	[dreg:$0x14] =	wrdreg s25;
	s26 =	sor.u32 s16, s24;
	s30 =	sadd.s32 $0x17800, s17;
	v8 =	vld [tilespmem:s28+$0x0]  }
0x2e1: {  	[dreg:$0x11] =	wrdreg s29;
	s25 =	sadd.s32 $0x17880, s17;
	s22 =	sor.u32 s14, s30;
	v2 =	vadd.f32 v6, v2;
	v6 =	vpop (erf)  }
0x2e2: {  	s5 =	sadd.s32 $0x17900, s17;
	[dreg:$0xf] =	wrdreg s26;
	s26 =	sor.u32 s16, s25;
	v9 =	vadd.f32 v11, v9;
	v11 =	vld [tilespmem:s22+$0x0];
	v6 =	vadd.f32 $1.000000000e+00, v6;
	v15 =	vpop (erf)  }
0x2e3: {  	v16 =	vld [tilespmem:s1+$0x100];
	[dreg:$0x16] =	wrdreg s26;
	s21 =	sor.u32 s16, s30;
	s28 =	sor.u32 s14, s25;
	v2 =	vadd.f32 v12, v2;
	v12 =	vadd.f32 $1.000000000e+00, v15;
	v15 =	vpop (erf)  }
0x2e4: {  	s29 =	sor.u32 s13, s25;
	[dreg:$0x10] =	wrdreg s21;
	s20 =	sor.u32 s15, s30;
	v7 =	vadd.f32 v13, v7;
	v13 =	vld [tilespmem:s28+$0x0];
	v15 =	vadd.f32 $1.000000000e+00, v15;
	v6 =	vmul.f32 v6, v6  }
0x2e5: {  	v17 =	vld [tilespmem:s3+$0x180];
	s26 =	sor.u32 s13, s5;
	[dreg:$0x12] =	wrdreg s20;
	s20 =	sor.u32 s14, s5;
	v10 =	vadd.f32 v14, v10;
	v2 =	vadd.f32 v8, v2  }
0x2e6: {  	s21 =	sadd.s32 $0x17980, s17;
	s24 =	sor.u32 s13, s30;
	s30 =	sor.u32 s15, s25;
	v8 =	vmul.f32 v12, v12;
	v12 =	vld [tilespmem:s20+$0x0];
	v14 =	vmul.f32 v15, v15;
	v15 =	vadd.f32 $1.000000000e+00, v6  }
0x2e7: {  	v18 =	vld [tilespmem:s2+$0x180];
	s25 =	sor.u32 s15, s5;
	s28 =	sor.u32 s16, s5;
	s5 =	sor.u32 s14, s21;
	v2 =	vadd.f32 v11, v2  }
0x2e8: {  	[dreg:$0xc] =	wrdreg s19;
	s19 =	sadd.s32 $0x17A00, s17;
	v59 =	vld [tilespmem:s5+$0x0];
	v11 =	vadd.f32 $1.000000000e+00, v8;
	(erf) = vrcp.f32 v15  }
0x2e9: {  	[dreg:$0xe] =	wrdreg s18;
	s2 =	sor.u32 s14, s19;
	v19 =	vadd.f32 $1.000000000e+00, v14;
	v15 =	vld [tilespmem:s1+$0x180];
	v2 =	vadd.f32 v13, v2  }
0x2ea: {  	s18 =	sor.u32 s15, s19;
	[dreg:$0x15] =	wrdreg s24;
	s5 =	sadd.s32 $0x17A80, s17;
	(erf) = vrcp.f32 v11;
	v11 =	vld [tilespmem:s2+$0x0]  }
0x2eb: {  	s24 =	sor.u32 s16, s21;
	s22 =	sor.u32 s15, s21;
	v13 =	vld [tilespmem:s0+$0x16380];
	s0 =	sor.u32 s14, s5;
	(erf) = vrcp.f32 v19;
	v2 =	vadd.f32 v12, v2  }
0x2ec: {  	s21 =	sor.u32 s13, s21;
	s3 =	sor.u32 s16, s5;
	s20 =	sor.u32 s16, s19;
	v12 =	vadd.f32 $-1.000000000e+00, v14;
	v14 =	vld [tilespmem:s0+$0x0]  }
0x2ed: {  	v60 =	vld [tilespmem:s9+$0x16380];
	v9 =	vadd.f32 v16, v9;
	s1 =	sor.u32 s13, s5;
	s2 =	sor.u32 s15, s5;
	s5 =	sadd.s32 $0x17B00, s17;
	v2 =	vadd.f32 v59, v2  }
0x2ee: {  	v61 =	vld [tilespmem:s12+$0x16380];
	v7 =	vadd.f32 v17, v7;
	s19 =	sor.u32 s13, s19;
	v6 =	vadd.f32 $-1.000000000e+00, v6;
	s17 =	sor.u32 s15, s5;
	s9 =	sor.u32 s14, s5  }
0x2ef: {  	s13 =	sor.u32 s13, s5;
	s0 =	sor.u32 s16, s5;
	s5 =	sand.u32 $0x380, s4;
	v9 =	vadd.f32 v15, v9;
	v15 =	vld [tilespmem:s9+$0x0];
	v2 =	vadd.f32 v11, v2  }
0x2f0: {  	v8 =	vadd.f32 $-1.000000000e+00, v8;
	v6 =	vmul.f32 v6, v4;
	s9 =	sor.u32 s5, s14;
	v7 =	vadd.f32 v13, v7;
	v13 =	vld [tilespmem:s23+$0x16380]  }
0x2f1: {  	v62 =	vld [tilespmem:s9+$0x18E00];
	v2 =	vadd.f32 v14, v2;
	v14 =	vpop (erf)  }
0x2f2: {  	v8 =	vmul.f32 v8, v5;
	s23 =	rddreg [dreg:$0x17];
	v11 =	vld [tilespmem:s9+$0x19080];
	v6 =	vmul.f32 v14, v6  }
0x2f3: {  	vm15 =	vgt.f32 v4, $1.500000000e+01;
	v12 =	vmul.f32 v12, v3;
	v63 =	vld [tilespmem:s23+$0x16380];
	v14 =	vpop (erf)  }
0x2f4: {  	s14 =	rddreg [dreg:$0x13];
	v15 =	vadd.f32 v15, v2;
	v8 =	vmul.f32 v14, v8;
	v14 =	vpop (erf);
	v2 =	vld [tilespmem:$0x19580];
	v4 =	vsel vm15, v4, v6  }
0x2f5: {  	vm2 =	vgt.f32 v5, $1.500000000e+01;
	s12 =	sor.u32 s5, s15;
	s15 =	sor.u32 s5, s16;
	s16 =	rddreg [dreg:$0xd];
	v12 =	vmul.f32 v14, v12;
	v6 =	vld [tilespmem:s14+$0x16380];
	[tilespmem:s7+$0x19300] =	vst v4  }
0x2f6: {  	vm1 =	vgt.f32 v3, $1.500000000e+01;
	s14 =	rddreg [dreg:$0xa];
	v4 =	vsel vm2, v5, v8;
	v5 =	vadd.f32 v13, v7;
	v7 =	vld [tilespmem:s16+$0x16380]  }
0x2f7: {  	s6 =	sadd.s32 $0x40, s6;
	s23 =	rddreg [dreg:$0xe];
	v11 =	vadd.f32 v11, v15;
	v3 =	vsel vm1, v3, v12;
	[tilespmem:s8+$0x19300] =	vst v4;
	v12 =	vld [tilespmem:s14+$0x16380]  }
0x2f8: {  	v10 =	vadd.f32 v18, v10;
	s7 =	smov.u32 s12;
	s12 =	rddreg [dreg:$0xb];
	v4 =	vld [tilespmem:s23+$0x16380];
	[tilespmem:s6+$0x0] =	vst v3  }
0x2f9: {  	v8 =	vmul.f32 v11, v62;
	s23 =	rddreg [dreg:$0x14];
	v11 =	vld [tilespmem:s12+$0x16380]  }
0x2fa: {  	v10 =	vadd.f32 v60, v10;
	v13 =	vld [tilespmem:s23+$0x0]  }
0x2fb: {  	v9 =	vadd.f32 v61, v9;
	s8 =	smov.u32 s15;
	s15 =	rddreg [dreg:$0xc];
	v14 =	vld [tilespmem:s19+$0x0];
	v3 =	vadd.f32 v8, v2  }
0x2fc: {  	v10 =	vadd.f32 v63, v10;
	s16 =	rddreg [dreg:$0x6];
	v8 =	vld [tilespmem:s15+$0x16380]  }
0x2fd: {  	s12 =	rddreg [dreg:$0xf];
	v6 =	vadd.f32 v6, v9;
	v9 =	vld [tilespmem:s16+$0x16380];
	v5 =	vadd.f32 v7, v5;
	v7 =	vmul.f32 $1.442695020e+00, v3  }
0x2fe: {  	s14 =	rddreg [dreg:$0x11];
	v4 =	vadd.f32 v4, v10;
	v10 =	vld [tilespmem:s12+$0x0]  }
0x2ff: {  	s15 =	rddreg [dreg:$0x12];
	(erf) = vpow2.f32 v7;
	v7 =	vld [tilespmem:s14+$0x0]  }
0x300: {  	v6 =	vadd.f32 v11, v6;
	v11 =	vld [tilespmem:s15+$0x0]  }
0x301: {  	s16 =	rddreg [dreg:$0x10];
	v5 =	vadd.f32 v12, v5;
	v12 =	vld [tilespmem:s30+$0x0]  }
0x302: {  	s23 =	rddreg [dreg:$0x15];
	v4 =	vadd.f32 v8, v4;
	v8 =	vld [tilespmem:s16+$0x0]  }
0x303: {  	v6 =	vadd.f32 v9, v6;
	v9 =	vld [tilespmem:s23+$0x0]  }
0x304: {  	v5 =	vadd.f32 v13, v5;
	v13 =	vld [tilespmem:s26+$0x0]  }
0x305: {  	s30 =	rddreg [dreg:$0x16];
	v4 =	vadd.f32 v10, v4;
	v10 =	vld [tilespmem:s29+$0x0]  }
0x306: {  	v6 =	vadd.f32 v7, v6;
	v7 =	vld [tilespmem:s30+$0x0]  }
0x307: {  	v5 =	vadd.f32 v11, v5;
	v11 =	vld [tilespmem:s25+$0x0]  }
0x308: {  	v4 =	vadd.f32 v8, v4;
	v8 =	vld [tilespmem:s28+$0x0];
	v6 =	vadd.f32 v9, v6  }
0x309: {  	v5 =	vadd.f32 v12, v5;
	v12 =	vld [tilespmem:s22+$0x0]  }
0x30a: {  	v9 =	vpop (erf);
	v6 =	vadd.f32 v10, v6;
	v10 =	vld [tilespmem:s21+$0x0]  }
0x30b: {  	v9 =	vadd.f32 $1.000000000e+00, v9;
	v4 =	vadd.f32 v7, v4;
	v7 =	vld [tilespmem:s24+$0x0]  }
0x30c: {  	v5 =	vadd.f32 v11, v5;
	v11 =	vld [tilespmem:s18+$0x0]  }
0x30d: {  	v6 =	vadd.f32 v13, v6;
	v13 =	vld [tilespmem:s20+$0x0];
	v9 =	vmul.f32 v9, v9  }
0x30e: {  	v4 =	vadd.f32 v8, v4;
	v5 =	vadd.f32 v12, v5;
	v12 =	vld [tilespmem:s2+$0x0]  }
0x30f: {  	v8 =	vadd.f32 $1.000000000e+00, v9;
	v6 =	vadd.f32 v10, v6;
	v10 =	vld [tilespmem:s1+$0x0]  }
0x310: {  	p2 =	slt.u32 s4, $0x240;
	v4 =	vadd.f32 v7, v4;
	v7 =	vld [tilespmem:s3+$0x0]  }
.Ltmp6:
0x311: {  	v5 =	vadd.f32 v11, v5;
	(erf) = vrcp.f32 v8;
	v8 =	vld [tilespmem:s17+$0x0];
	(pc) =	sbr.rel @p2 .LBB2_13-.Ltmp6, $4  }
0x312: {  	v11 =	vadd.f32 v13, v4;
	v13 =	vadd.f32 v14, v6;
	v6 =	vld [tilespmem:s0+$0x0]  }
0x313: {  	v4 =	vld [tilespmem:s13+$0x0];
	v12 =	vadd.f32 v12, v5;
	v5 =	vadd.f32 $-1.000000000e+00, v9  }
0x314: {  	v9 =	vld [tilespmem:s7+$0x19080]  }
0x315: {  	s11 =	sadd.s32 $0x40, s11;
	v10 =	vadd.f32 v10, v13;
	v5 =	vmul.f32 v5, v3;
	v11 =	vadd.f32 v7, v11;
	v7 =	vld [tilespmem:s8+$0x19080]  }
0x316: {  	v13 =	vld [tilespmem:s7+$0x18E00]  }
0x317: {  	v8 =	vadd.f32 v8, v12;
	v44 =	vld [tilespmem:s8+$0x18E00]  }
0x318: {  	v6 =	vadd.f32 v6, v11  }
0x319: {  	v4 =	vadd.f32 v4, v10;
	v8 =	vadd.f32 v9, v8  }
0x31a: {  	v6 =	vadd.f32 v7, v6  }
0x31b: {  	v0 =	vadd.f32 v0, v4;
	v45 =	vmul.f32 v8, v13  }
0x31c: {  	v6 =	vmul.f32 v6, v44  }
0x31d: {  	v0 =	vmul.f32 v0, v1;
	v46 =	vadd.f32 v45, v2  }
0x31e: {  	v47 =	vadd.f32 v6, v2  }
0x31f: {  	v0 =	vadd.f32 v0, v2;
	v48 =	vmul.f32 $1.442695020e+00, v46  }
0x320: {  	v6 =	vmul.f32 $1.442695020e+00, v47  }
0x321: {  	v49 =	vmul.f32 $1.442695020e+00, v0;
	(erf) = vpow2.f32 v48  }
0x322: {  	(erf) = vpow2.f32 v6  }
0x323: {  	(erf) = vpow2.f32 v49;
	_ =	sdelay $0x5  }
0x324: {  	v50 =	vpop (erf)  }
0x325: {  	v51 =	vpop (erf)  }
0x326: {  	v6 =	vadd.f32 $1.000000000e+00, v51;
	v52 =	vpop (erf)  }
0x327: {  	v7 =	vadd.f32 $1.000000000e+00, v52;
	v53 =	vpop (erf)  }
0x328: {  	v8 =	vadd.f32 $1.000000000e+00, v53;
	v6 =	vmul.f32 v6, v6  }
0x329: {  	v7 =	vmul.f32 v7, v7  }
0x32a: {  	v8 =	vmul.f32 v8, v8;
	v54 =	vadd.f32 $1.000000000e+00, v6  }
0x32b: {  	v55 =	vadd.f32 $1.000000000e+00, v7  }
0x32c: {  	v56 =	vadd.f32 $1.000000000e+00, v8;
	(erf) = vrcp.f32 v54  }
0x32d: {  	(erf) = vrcp.f32 v55  }
0x32e: {  	(erf) = vrcp.f32 v56;
	_ =	sdelay $0x3  }
0x32f: {  	v6 =	vadd.f32 $-1.000000000e+00, v6  }
0x330: {  	v7 =	vadd.f32 $-1.000000000e+00, v7  }
0x331: {  	v8 =	vadd.f32 $-1.000000000e+00, v8;
	v6 =	vmul.f32 v6, v46  }
0x332: {  	v2 =	vmul.f32 v50, v5;
	v57 =	vmul.f32 v7, v47;
	v58 =	vpop (erf)  }
0x333: {  	vm0 =	vgt.f32 v3, $1.500000000e+01;
	v8 =	vmul.f32 v8, v0;
	v6 =	vmul.f32 v58, v6;
	v59 =	vpop (erf)  }
0x334: {  	vm14 =	vgt.f32 v46, $1.500000000e+01;
	v2 =	vsel vm0, v3, v2;
	v60 =	vmul.f32 v59, v57;
	v61 =	vpop (erf)  }
0x335: {  	vm1 =	vgt.f32 v47, $1.500000000e+01;
	[tilespmem:s9+$0x19300] =	vst v2;
	v62 =	vmul.f32 v61, v8;
	v1 =	vsel vm14, v46, v6  }
0x336: {  	vm15 =	vgt.f32 v0, $1.500000000e+01;
	[tilespmem:s7+$0x19300] =	vst v1;
	v63 =	vsel vm1, v47, v60  }
0x337: {  	s0 =	sadd.s32 $0x40, s6;
	v0 =	vsel vm15, v0, v62;
	[tilespmem:s8+$0x19300] =	vst v63  }
0x338: {  	[tilespmem:s0+$0x0] =	vst v0  }
0x339: {  	s2 =	sld [smem:$0x7FD];
	_ =	sdelay $0x1  }
0x33a: {  	s1 =	simm.s32 @p0 $0x19300;
	s0 =	simm.s32 @p0 $0x0  }
0x33b: {  	[hbm4b:s2+s0] =	stream.linear.scatter @p0 [tilespmem:s1], [sflag:$0x2], $0x190, $0x38;
	[tilespmem:$0x1C080] =	vst v63  }
0x33c: {  	s0 =	simm.s32 @p0 $0x2  }
0x33d: {  	_ =	swait.ge @p0 [sflag:s0], $0x190  }
0x33e: {  	s1 =	simm.s32 @!p0 $0x19300;
	[sflag:s0] =	ssyncset.done @p0 $0x0  }
0x33f: {  	s2 =	rddreg [dreg:$0x1f];
	[sflag:s0] =	ssyncadd.s32 @p0 $0xFFFFFE70;
	s0 =	simm.s32 @!p0 $0x0  }
0x340: {  	[hbm4b:s2+s0] =	stream.linear.scatter @!p0 [tilespmem:s1], [sflag:$0x2], $0x280, $0x38;
	[tilespmem:$0x1C080] =	vst v63  }
0x341: {  	s0 =	simm.s32 @!p0 $0x2  }
0x342: {  	_ =	swait.ge @!p0 [sflag:s0], $0x280  }
0x343: {  	[sflag:s0] =	ssyncset.done @!p0 $0x0  }
0x344: {  	[sflag:s0] =	ssyncadd.s32 @!p0 $0xFFFFFD80  }
0x345: {  	_ =	sfence.sel $0x180000  }
0x346: {  	[bflag:$0x0] =	sbarrier.arrive $0xFFFF  }
0x347: {  	_ =	strace $0x90000047  }
0x348: {  	s31 =	stileid.u32;
	[bflag:$0x2] =	sbarrier.arrive $0xFFFF  }
0x349: {  	p0 =	sne.s32 s31, $0x0;
	s0 =	rddreg [dreg:$0x5]  }
0x34a: {  	s0 =	sadd.s32 @!p0 $0x100000, s0  }
0x34b: {  	[sflag:s0] =	ssyncadd.tile.s32 @!p0 $0x1;
	_ =	shalt  }
.Lfunc_end2:
_tile_overlayer_lowered:
.L_overlay_start_2:
0x34c: {  	(tag) =	ssettag $0x2  }
0x34d: {  	s0 =	rddreg [dreg:$0x0];
	s2 =	stileid.u32  }
0x34e: {  	s1 =	rddreg [dreg:$0x1];
	p0 =	sne.s32 s2, $0x0  }
0x34f: {  	s3 =	rddreg [dreg:$0x2];
	[bflag:$0x3] =	sbarrier.arrive $0xFFFF;
	s2 =	simm.s32 @!p0 $0x1C02  }
0x350: {  	[timem:s3], [sflag:s2] =	dma.local @!p0 [hbm:s0], s1  }
0x351: {  	s0 =	simm.s32 @!p0 $0x2  }
0x352: {  	_ =	swait.ge @!p0 [sflag:s0], s1  }
0x353: {  	s1 =	ssub.s32 @!p0 $0x0, s1;
	[sflag:s0] =	ssyncset.done @!p0 $0x0  }
0x354: {  	[sflag:s0] =	ssyncadd.s32 @!p0 s1  }
0x355: {  	[bflag:$0x3] =	sbarrier.arrive $0xFFFF  }
0x356: {  	_ =	shalt  }

</sc_bundles>
